<compile_context>
chip_gen: v7x
topology: tpu7x:2x2x1
jax: 0.10.2.dev20260603
libtpu: 0.0.44.dev20260713+nightly
codegen_flags: <defaults>
</compile_context>

<pallas_src>
import jax
import jax.numpy as jnp
from jax import lax
from jax.experimental import pallas as pl
from jax.experimental.pallas import tpu as pltpu
from jax.experimental.pallas import tpu_sc as plsc

N_NODES = 10000
N_EDGES = 160000
D_NODE = 256
D_EDGE = 16
D_OUT = 256
HALF = 128
NC = 2
NS = 16
LANES = 16
K = 40
EPS = N_EDGES // NS
NCHUNK = EPS // K
NG = NCHUNK // 2
ROWS_MAIN = 640
GR = 80


def _mm_body(a_ref, w_ref, b_ref, o_ref):
    acc = jnp.dot(a_ref[...], w_ref[...], preferred_element_type=jnp.float32)
    b = b_ref[pl.ds(pl.program_id(0), 1), :]
    o_ref[...] = jnp.maximum(acc + b, 0.0).astype(o_ref.dtype)


def _linear_relu_split(a, W, b2, rows, rb, out_dtype=jnp.float32):
    nrb = rows // rb
    return pl.pallas_call(
        _mm_body,
        grid=(NC, nrb),
        in_specs=[
            pl.BlockSpec((rb, a.shape[1]), lambda c, r: (r, 0)),
            pl.BlockSpec((a.shape[1], HALF), lambda c, r: (0, c)),
            pl.BlockSpec((NC, HALF), lambda c, r: (0, 0)),
        ],
        out_specs=pl.BlockSpec((rb, HALF), lambda c, r, nrb=nrb: (c * nrb + r, 0)),
        out_shape=jax.ShapeDtypeStruct((NC * rows, HALF), out_dtype),
    )(a, W, b2)


def _sc_body(w_hbm, h_hbm, srci_hbm, dsti_hbm, dstf_hbm, out_hbm,
             srcb, dstb, dst80, wbuf, hbuf, obuf, degv, ones_v,
             acc, dacc, sem_i, sem_g, sem_h, sem_s, sem_d):
    c = lax.axis_index("c")
    s = lax.axis_index("s")
    r0 = s * ROWS_MAIN
    ngroups = jnp.where(s < NS - 1, ROWS_MAIN // GR,
                        (N_NODES - (NS - 1) * ROWS_MAIN) // GR)
    rowbase = (c * NS + s) * NCHUNK
    hbase = c * N_EDGES + s * EPS
    ebase = c * N_EDGES + s * EPS

    zero16 = jnp.zeros((LANES,), jnp.float32)
    one16 = jnp.ones((LANES,), jnp.float32)

    @pl.loop(0, GR)
    def _(k):
        for j in range(HALF // LANES):
            obuf[k, pl.ds(j * LANES, LANES)] = zero16

    @pl.loop(0, GR // LANES)
    def _(q):
        ones_v[pl.ds(q * LANES, LANES)] = one16
        degv[pl.ds(q * LANES, LANES)] = zero16

    @pl.loop(0, ngroups)
    def _(g):
        rb = r0 + g * GR
        pltpu.sync_copy(obuf, acc.at[pl.ds(rb, GR)])
        pltpu.sync_copy(degv, dacc.at[pl.ds(rb, GR)])

    plsc.subcore_barrier()

    def issue_idx(m):
        p = lax.rem(m, 2)
        pltpu.async_copy(srci_hbm.at[pl.ds(rowbase + 2 * m, 2)],
                         srcb.at[p], sem_i.at[p])
        pltpu.async_copy(dsti_hbm.at[pl.ds(rowbase + 2 * m, 2)],
                         dstb.at[p], sem_i.at[p])
        pltpu.async_copy(dstf_hbm.at[pl.ds(ebase + m * 2 * K, 2 * K)],
                         dst80.at[p], sem_i.at[p])

    def wait_idx(m):
        p = lax.rem(m, 2)
        pltpu.make_async_copy(srci_hbm.at[pl.ds(rowbase, 2)],
                              srcb.at[p], sem_i.at[p]).wait()
        pltpu.make_async_copy(dsti_hbm.at[pl.ds(rowbase, 2)],
                              dstb.at[p], sem_i.at[p]).wait()
        pltpu.make_async_copy(dstf_hbm.at[pl.ds(ebase, 2 * K)],
                              dst80.at[p], sem_i.at[p]).wait()

    def issue_loads(i, p, sub):
        pltpu.async_copy(w_hbm.at[srcb.at[p, sub]], wbuf.at[sub],
                         sem_g.at[sub])
        pltpu.async_copy(h_hbm.at[pl.ds(hbase + i * K, K)], hbuf.at[sub],
                         sem_h.at[sub])

    def wait_loads(sub):
        pltpu.make_async_copy(w_hbm.at[srcb.at[0, 0]], wbuf.at[sub],
                              sem_g.at[sub]).wait()
        pltpu.make_async_copy(h_hbm.at[pl.ds(hbase, K)], hbuf.at[sub],
                              sem_h.at[sub]).wait()

    def mult(sub):
        @pl.loop(0, K)
        def _(k):
            for j in range(HALF // LANES):
                sl = (sub, k, pl.ds(j * LANES, LANES))
                wbuf[sl] = wbuf[sl] * hbuf[sl]

    def issue_scatter(p, sub):
        pltpu.async_copy(wbuf.at[sub], acc.at[dstb.at[p, sub]],
                         sem_s.at[sub], add=True)

    def wait_scatter(sub):
        pltpu.make_async_copy(wbuf.at[sub], acc.at[dstb.at[0, 0]],
                              sem_s.at[sub]).wait()

    def wait_deg():
        pltpu.make_async_copy(ones_v, dacc.at[dst80.at[0]], sem_d).wait()

    pltpu.sync_copy(srci_hbm.at[pl.ds(rowbase, 2)], srcb.at[0])
    pltpu.sync_copy(dsti_hbm.at[pl.ds(rowbase, 2)], dstb.at[0])
    pltpu.sync_copy(dstf_hbm.at[pl.ds(ebase, 2 * K)], dst80.at[0])
    issue_loads(0, 0, 0)

    @pl.loop(0, NG)
    def _(m):
        p = lax.rem(m, 2)

        @pl.when(m >= 1)
        def _():
            wait_scatter(1)
        issue_loads(2 * m + 1, p, 1)

        @pl.when(m >= 1)
        def _():
            wait_deg()
        @pl.when(m + 1 < NG)
        def _():
            issue_idx(m + 1)
        pltpu.async_copy(ones_v, dacc.at[dst80.at[p]], sem_d, add=True)

        wait_loads(0)
        mult(0)
        issue_scatter(p, 0)

        @pl.when(m + 1 < NG)
        def _():
            wait_scatter(0)
            wait_idx(m + 1)
            issue_loads(2 * (m + 1), 1 - lax.rem(m, 2), 0)

        wait_loads(1)
        mult(1)
        issue_scatter(p, 1)

    wait_scatter(0)
    wait_scatter(1)
    wait_deg()

    plsc.subcore_barrier()

    @pl.loop(0, ngroups)
    def _(g):
        rb = r0 + g * GR
        pltpu.sync_copy(acc.at[pl.ds(rb, GR)], obuf)

        pltpu.sync_copy(obuf,
                        out_hbm.at[pl.ds(rb, GR), pl.ds(c * HALF, HALF)])


_sc_call = pl.kernel(
    _sc_body,
    out_type=jax.ShapeDtypeStruct((N_NODES, D_OUT), jnp.float32),
    mesh=plsc.VectorSubcoreMesh(
        core_axis_name="c", subcore_axis_name="s", num_cores=NC, num_subcores=NS
    ),
    compiler_params=pltpu.CompilerParams(use_tc_tiling_on_sc=False),
    scratch_types=[
        pltpu.VMEM((2, 2, K), jnp.int32),
        pltpu.VMEM((2, 2, K), jnp.int32),
        pltpu.VMEM((2, 2 * K), jnp.int32),
        pltpu.VMEM((2, K, HALF), jnp.float32),
        pltpu.VMEM((2, K, HALF), jnp.float32),
        pltpu.VMEM((GR, HALF), jnp.float32),
        pltpu.VMEM((GR,), jnp.float32),
        pltpu.VMEM((GR,), jnp.float32),
        pltpu.VMEM_SHARED((N_NODES, HALF), jnp.float32),
        pltpu.VMEM_SHARED((N_NODES,), jnp.float32),
        pltpu.SemaphoreType.DMA((2,)),
        pltpu.SemaphoreType.DMA((2,)),
        pltpu.SemaphoreType.DMA((2,)),
        pltpu.SemaphoreType.DMA((2,)),
        pltpu.SemaphoreType.DMA,
    ],
)


def kernel(x, edge_attr, edge_index, Wn, bn, We, be):
    ei = edge_index.astype(jnp.int32)
    src, dst = ei[0], ei[1]
    srci = jnp.stack([src, src + N_NODES]).reshape(NC * N_EDGES // K, K)
    dstf = jnp.broadcast_to(dst, (NC, N_EDGES))
    dsti = dstf.reshape(NC * N_EDGES // K, K)
    dstf = dstf.reshape(NC * N_EDGES)
    w_cat = _linear_relu_split(x, Wn, bn.reshape(NC, HALF), N_NODES, 10000)
    h_cat = _linear_relu_split(edge_attr, We, be.reshape(NC, HALF), N_EDGES, 16000)
    return _sc_call(w_cat, h_cat, srci, dsti, dstf)

# --- scband reference (transcript-rebuilt; emitter-appended) ---
"""Pipeline reference for scband-graph-nn-47055661695095 (READ-ONLY COPY).

The authoritative reference and input builder live on the scoring server;
editing this copy changes nothing except your own understanding.
"""

import jax, jax.numpy as jnp
import numpy as np

N_NODES = 10000
N_EDGES = 160000
D_NODE = 256
D_EDGE = 16
D_OUT = 256


def setup_inputs(seed: int = 0) -> dict:
    key = jax.random.key(seed)
    ks = jax.random.split(key, 8)
    x = jax.random.normal(ks[0], (N_NODES, D_NODE), dtype=jnp.float32)
    edge_attr = jax.random.normal(ks[1], (N_EDGES, D_EDGE), dtype=jnp.float32)
    edge_index = jax.random.randint(ks[2], (2, N_EDGES), 0, N_NODES, dtype=jnp.int64 if jax.config.jax_enable_x64 else jnp.int32)
    # learned params: node linear (D_NODE -> D_OUT), edge linear (D_EDGE -> D_OUT)
    Wn = jax.random.normal(ks[3], (D_NODE, D_OUT), dtype=jnp.float32) * (1.0 / np.sqrt(D_NODE))
    bn = jax.random.normal(ks[4], (D_OUT,), dtype=jnp.float32) * 0.01
    We = jax.random.normal(ks[5], (D_EDGE, D_OUT), dtype=jnp.float32) * (1.0 / np.sqrt(D_EDGE))
    be = jax.random.normal(ks[6], (D_OUT,), dtype=jnp.float32) * 0.01
    return {"x": x, "edge_attr": edge_attr, "edge_index": edge_index, "Wn": Wn, "bn": bn, "We": We, "be": be}


def reference(x, edge_attr, edge_index, Wn, bn, We, be):
    # GraphConv_node: w = relu(Linear(feature)) applied to all nodes
    w = jax.nn.relu(x @ Wn + bn)                      # [N, D_OUT]
    # GraphConv_edge: h = relu(Linear(efeature)) applied to all edges
    h = jax.nn.relu(edge_attr @ We + be)              # [E, D_OUT]
    src = edge_index[0]
    dst = edge_index[1]
    # update_all(fn.u_mul_e('w','h','m'), fn.mean('m','w'))
    m = jnp.take(w, src, axis=0) * h                  # [E, D_OUT]
    summ = jax.ops.segment_sum(m, dst, num_segments=x.shape[0])
    deg = jax.ops.segment_sum(jnp.ones((m.shape[0],), dtype=m.dtype), dst, num_segments=x.shape[0])
    # DGL mean leaves zero-in-degree nodes at 0
    out = summ / jnp.maximum(deg, 1.0)[:, None]
    return out

if __name__ == "__main__":
    import jax
    _d = setup_inputs()
    print(jax.jit(kernel)(*tuple(_d.values())))

</pallas_src>

<mosaic_0001>
#map = affine_map<(d0, d1) -> (0, 0)>
#map1 = affine_map<(d0, d1) -> (0)>
module attributes {stable_mosaic.version = 14 : i64} {
  func.func @_sc_body(%arg0: i32, %arg1: i32, %arg2: memref<20000x128xf32, #tpu.memory_space<hbm>>, %arg3: memref<320000x128xf32, #tpu.memory_space<hbm>>, %arg4: memref<8000x40xi32, #tpu.memory_space<hbm>>, %arg5: memref<8000x40xi32, #tpu.memory_space<hbm>>, %arg6: memref<320000xi32, #tpu.memory_space<hbm>>, %arg7: memref<10000x256xf32, #tpu.memory_space<hbm>>, %arg8: memref<2x2x40xi32, #tpu.memory_space<vmem>>, %arg9: memref<2x2x40xi32, #tpu.memory_space<vmem>>, %arg10: memref<2x80xi32, #tpu.memory_space<vmem>>, %arg11: memref<2x40x128xf32, #tpu.memory_space<vmem>>, %arg12: memref<2x40x128xf32, #tpu.memory_space<vmem>>, %arg13: memref<80x128xf32, #tpu.memory_space<vmem>>, %arg14: memref<80xf32, #tpu.memory_space<vmem>>, %arg15: memref<80xf32, #tpu.memory_space<vmem>>, %arg16: memref<10000x128xf32, #tpu.memory_space<vmem_shared>>, %arg17: memref<10000xf32, #tpu.memory_space<vmem_shared>>, %arg18: memref<2x!tpu.dma_semaphore, #tpu.memory_space<semaphore_mem>>, %arg19: memref<2x!tpu.dma_semaphore, #tpu.memory_space<semaphore_mem>>, %arg20: memref<2x!tpu.dma_semaphore, #tpu.memory_space<semaphore_mem>>, %arg21: memref<2x!tpu.dma_semaphore, #tpu.memory_space<semaphore_mem>>, %arg22: memref<!tpu.dma_semaphore, #tpu.memory_space<semaphore_mem>>) attributes {dimension_semantics = [#tpu.dimension_semantics<core_parallel>, #tpu.dimension_semantics<subcore_parallel>], iteration_bounds = array<i64: 2, 16>, scalar_prefetch = 0 : i64, scratch_operands = 15 : i64, tpu.core_type = #tpu.core_type<sc_vector_subcore>, window_params = [{transform_indices = #map}, {transform_indices = #map}, {transform_indices = #map}, {transform_indices = #map}, {transform_indices = #map1}, {transform_indices = #map}]} {
    %mul3A = arith.constant 640 : i32
    %mul3A_0 = arith.muli %arg1, %mul3A : i32
    %lt3A = arith.constant 15 : i32
    %lt3A_1 = arith.cmpi slt, %arg1, %lt3A : i32
    %jit3A = arith.constant 8 : i32
    %jit3A_2 = arith.constant 5 : i32
    %select_n3A = arith.select %lt3A_1, %jit3A, %jit3A_2 : i32
    %mul3A_3 = arith.constant 16 : i32
    %mul3A_4 = arith.muli %arg0, %mul3A_3 : i32
    %add3A = arith.addi %mul3A_4, %arg1 : i32
    %mul3A_5 = arith.constant 250 : i32
    %mul3A_6 = arith.muli %add3A, %mul3A_5 : i32
    %mul3A_7 = arith.constant 160000 : i32
    %mul3A_8 = arith.muli %arg0, %mul3A_7 : i32
    %mul3A_9 = arith.constant 10000 : i32
    %mul3A_10 = arith.muli %arg1, %mul3A_9 : i32
    %add3A_11 = arith.addi %mul3A_8, %mul3A_10 : i32
    %mul3A_12 = arith.constant 160000 : i32
    %mul3A_13 = arith.muli %arg0, %mul3A_12 : i32
    %mul3A_14 = arith.constant 10000 : i32
    %mul3A_15 = arith.muli %arg1, %mul3A_14 : i32
    %add3A_16 = arith.addi %mul3A_13, %mul3A_15 : i32
    %broadcast_in_dim3A = arith.constant 0.000000e+00 : f32
    %broadcast_in_dim3A_17 = vector.broadcast %broadcast_in_dim3A : f32 to vector<16xf32>
    %broadcast_in_dim3A_18 = arith.constant 1.000000e+00 : f32
    %broadcast_in_dim3A_19 = vector.broadcast %broadcast_in_dim3A_18 : f32 to vector<16xf32>
    %scan3A = arith.constant 0 : i32
    %scan3A_20 = arith.constant 80 : i32
    %scan3A_21 = arith.addi %scan3A, %scan3A_20 : i32
    %scan3A_22 = arith.constant 1 : i32
    scf.for %scan3A_142 = %scan3A to %scan3A_21 step %scan3A_22  : i32 {
      %mul3A_143 = arith.constant 1 : i32
      %mul3A_144 = arith.muli %scan3A_142, %mul3A_143 : i32
      %add3A_145 = arith.constant 0 : i32
      %add3A_146 = arith.addi %add3A_145, %mul3A_144 : i32
      %swap3A = arith.index_cast %add3A_146 : i32 to index
      %swap3A_147 = arith.constant 0 : index
      %swap3A_148 = tpu.vector_load %arg13[%swap3A, %swap3A_147] {strides = array<i32>} : memref<80x128xf32, #tpu.memory_space<vmem>>, vector<1x16xf32>,
      %swap3A_149 = vector.shape_cast %swap3A_148 : vector<1x16xf32> to vector<16xf32>
      %swap3A_150 = vector.shape_cast %broadcast_in_dim3A_17 : vector<16xf32> to vector<1x16xf32>
      tpu.vector_store %arg13[%swap3A, %swap3A_147], %swap3A_150 {strides = array<i32>} : memref<80x128xf32, #tpu.memory_space<vmem>>, vector<1x16xf32>,
      %swap3A_151 = arith.index_cast %add3A_146 : i32 to index
      %swap3A_152 = arith.constant 16 : index
      %swap3A_153 = tpu.vector_load %arg13[%swap3A_151, %swap3A_152] {strides = array<i32>} : memref<80x128xf32, #tpu.memory_space<vmem>>, vector<1x16xf32>,
      %swap3A_154 = vector.shape_cast %swap3A_153 : vector<1x16xf32> to vector<16xf32>
      %swap3A_155 = vector.shape_cast %broadcast_in_dim3A_17 : vector<16xf32> to vector<1x16xf32>
      tpu.vector_store %arg13[%swap3A_151, %swap3A_152], %swap3A_155 {strides = array<i32>} : memref<80x128xf32, #tpu.memory_space<vmem>>, vector<1x16xf32>,
      %swap3A_156 = arith.index_cast %add3A_146 : i32 to index
      %swap3A_157 = arith.constant 32 : index
      %swap3A_158 = tpu.vector_load %arg13[%swap3A_156, %swap3A_157] {strides = array<i32>} : memref<80x128xf32, #tpu.memory_space<vmem>>, vector<1x16xf32>,
      %swap3A_159 = vector.shape_cast %swap3A_158 : vector<1x16xf32> to vector<16xf32>
      %swap3A_160 = vector.shape_cast %broadcast_in_dim3A_17 : vector<16xf32> to vector<1x16xf32>
      tpu.vector_store %arg13[%swap3A_156, %swap3A_157], %swap3A_160 {strides = array<i32>} : memref<80x128xf32, #tpu.memory_space<vmem>>, vector<1x16xf32>,
      %swap3A_161 = arith.index_cast %add3A_146 : i32 to index
      %swap3A_162 = arith.constant 48 : index
      %swap3A_163 = tpu.vector_load %arg13[%swap3A_161, %swap3A_162] {strides = array<i32>} : memref<80x128xf32, #tpu.memory_space<vmem>>, vector<1x16xf32>,
      %swap3A_164 = vector.shape_cast %swap3A_163 : vector<1x16xf32> to vector<16xf32>
      %swap3A_165 = vector.shape_cast %broadcast_in_dim3A_17 : vector<16xf32> to vector<1x16xf32>
      tpu.vector_store %arg13[%swap3A_161, %swap3A_162], %swap3A_165 {strides = array<i32>} : memref<80x128xf32, #tpu.memory_space<vmem>>, vector<1x16xf32>,
      %swap3A_166 = arith.index_cast %add3A_146 : i32 to index
      %swap3A_167 = arith.constant 64 : index
      %swap3A_168 = tpu.vector_load %arg13[%swap3A_166, %swap3A_167] {strides = array<i32>} : memref<80x128xf32, #tpu.memory_space<vmem>>, vector<1x16xf32>,
      %swap3A_169 = vector.shape_cast %swap3A_168 : vector<1x16xf32> to vector<16xf32>
      %swap3A_170 = vector.shape_cast %broadcast_in_dim3A_17 : vector<16xf32> to vector<1x16xf32>
      tpu.vector_store %arg13[%swap3A_166, %swap3A_167], %swap3A_170 {strides = array<i32>} : memref<80x128xf32, #tpu.memory_space<vmem>>, vector<1x16xf32>,
      %swap3A_171 = arith.index_cast %add3A_146 : i32 to index
      %swap3A_172 = arith.constant 80 : index
      %swap3A_173 = tpu.vector_load %arg13[%swap3A_171, %swap3A_172] {strides = array<i32>} : memref<80x128xf32, #tpu.memory_space<vmem>>, vector<1x16xf32>,
      %swap3A_174 = vector.shape_cast %swap3A_173 : vector<1x16xf32> to vector<16xf32>
      %swap3A_175 = vector.shape_cast %broadcast_in_dim3A_17 : vector<16xf32> to vector<1x16xf32>
      tpu.vector_store %arg13[%swap3A_171, %swap3A_172], %swap3A_175 {strides = array<i32>} : memref<80x128xf32, #tpu.memory_space<vmem>>, vector<1x16xf32>,
      %swap3A_176 = arith.index_cast %add3A_146 : i32 to index
      %swap3A_177 = arith.constant 96 : index
      %swap3A_178 = tpu.vector_load %arg13[%swap3A_176, %swap3A_177] {strides = array<i32>} : memref<80x128xf32, #tpu.memory_space<vmem>>, vector<1x16xf32>,
      %swap3A_179 = vector.shape_cast %swap3A_178 : vector<1x16xf32> to vector<16xf32>
      %swap3A_180 = vector.shape_cast %broadcast_in_dim3A_17 : vector<16xf32> to vector<1x16xf32>
      tpu.vector_store %arg13[%swap3A_176, %swap3A_177], %swap3A_180 {strides = array<i32>} : memref<80x128xf32, #tpu.memory_space<vmem>>, vector<1x16xf32>,
      %swap3A_181 = arith.index_cast %add3A_146 : i32 to index
      %swap3A_182 = arith.constant 112 : index
      %swap3A_183 = tpu.vector_load %arg13[%swap3A_181, %swap3A_182] {strides = array<i32>} : memref<80x128xf32, #tpu.memory_space<vmem>>, vector<1x16xf32>,
      %swap3A_184 = vector.shape_cast %swap3A_183 : vector<1x16xf32> to vector<16xf32>
      %swap3A_185 = vector.shape_cast %broadcast_in_dim3A_17 : vector<16xf32> to vector<1x16xf32>
      tpu.vector_store %arg13[%swap3A_181, %swap3A_182], %swap3A_185 {strides = array<i32>} : memref<80x128xf32, #tpu.memory_space<vmem>>, vector<1x16xf32>,
    }
    %scan3A_23 = arith.constant 80 : i32
    %scan3A_24 = arith.constant 0 : i32
    %scan3A_25 = arith.constant 5 : i32
    %scan3A_26 = arith.addi %scan3A_24, %scan3A_25 : i32
    %scan3A_27 = arith.constant 1 : i32
    scf.for %scan3A_142 = %scan3A_24 to %scan3A_26 step %scan3A_27  : i32 {
      %mul3A_143 = arith.constant 1 : i32
      %mul3A_144 = arith.muli %scan3A_142, %mul3A_143 : i32
      %add3A_145 = arith.constant 0 : i32
      %add3A_146 = arith.addi %add3A_145, %mul3A_144 : i32
      %mul3A_147 = arith.constant 16 : i32
      %mul3A_148 = arith.muli %add3A_146, %mul3A_147 : i32
      %swap3A = arith.index_cast %mul3A_148 : i32 to index
      %swap3A_149 = tpu.vector_load %arg15[%swap3A] {strides = array<i32>} : memref<80xf32, #tpu.memory_space<vmem>>, vector<16xf32>,
      %swap3A_150 = vector.shape_cast %swap3A_149 : vector<16xf32> to vector<16xf32>
      %swap3A_151 = vector.shape_cast %broadcast_in_dim3A_19 : vector<16xf32> to vector<16xf32>
      tpu.vector_store %arg15[%swap3A], %swap3A_151 {strides = array<i32>} : memref<80xf32, #tpu.memory_space<vmem>>, vector<16xf32>,
      %mul3A_152 = arith.constant 16 : i32
      %mul3A_153 = arith.muli %add3A_146, %mul3A_152 : i32
      %swap3A_154 = arith.index_cast %mul3A_153 : i32 to index
      %swap3A_155 = tpu.vector_load %arg14[%swap3A_154] {strides = array<i32>} : memref<80xf32, #tpu.memory_space<vmem>>, vector<16xf32>,
      %swap3A_156 = vector.shape_cast %swap3A_155 : vector<16xf32> to vector<16xf32>
      %swap3A_157 = vector.shape_cast %broadcast_in_dim3A_17 : vector<16xf32> to vector<16xf32>
      tpu.vector_store %arg14[%swap3A_154], %swap3A_157 {strides = array<i32>} : memref<80xf32, #tpu.memory_space<vmem>>, vector<16xf32>,
    }
    %scan3A_28 = arith.constant 5 : i32
    %sub3A = arith.constant 0 : i32
    %sub3A_29 = arith.subi %select_n3A, %sub3A : i32
    %sub3A_30 = arith.constant 1 : i32
    %sub3A_31 = arith.constant 1 : i32
    %sub3A_32 = arith.subi %sub3A_30, %sub3A_31 : i32
    %add3A_33 = arith.addi %sub3A_29, %sub3A_32 : i32
    %div3A = arith.constant 1 : i32
    %div3A_34 = arith.divsi %add3A_33, %div3A : i32
    %while3A = arith.constant 1 : i32
    %while3A_35 = arith.constant 0 : i32
    %while3A_36 = arith.constant 0 : i32
    %while3A_37 = arith.subi %div3A_34, %while3A_36 : i32
    %while3A_38 = arith.addi %while3A_36, %while3A_37 : i32
    %while3A_39 = arith.constant 1 : i32
    %while3A_40 = arith.divsi %while3A_37, %while3A_39 : i32
    %while3A_41 = arith.muli %while3A_40, %while3A_39 : i32
    %while3A_42 = arith.addi %while3A_36, %while3A_41 : i32
    %while3A_43 = arith.constant 1 : i32
    scf.for %while3A_142 = %while3A_36 to %while3A_42 step %while3A_43  : i32 {
      %mul3A_143 = arith.muli %while3A_142, %while3A : i32
      %add3A_144 = arith.addi %while3A_35, %mul3A_143 : i32
      %mul3A_145 = arith.constant 80 : i32
      %mul3A_146 = arith.muli %add3A_144, %mul3A_145 : i32
      %add3A_147 = arith.addi %mul3A_0, %mul3A_146 : i32
      "tpu.region"() ({
        %run_scoped3A_148 = tpu.sem_alloc : memref<!tpu.dma_semaphore, #tpu.memory_space<semaphore_mem>>
        %dma_start3A_149 = arith.constant 0 : i32
        %dma_start3A_150 = tpu.memref_slice %arg16[%add3A_147, %dma_start3A_149] : memref<10000x128xf32, #tpu.memory_space<vmem_shared>> -> memref<80x128xf32, #tpu.memory_space<vmem_shared>>
        %dma_start3A_151 = arith.constant 0 : i32
        %dma_start3A_152 = tpu.memref_slice %arg16[%add3A_147, %dma_start3A_151] : memref<10000x128xf32, #tpu.memory_space<vmem_shared>> -> memref<80x128xf32, #tpu.memory_space<vmem_shared>>
        tpu.enqueue_dma source(%arg13 : memref<80x128xf32, #tpu.memory_space<vmem>>) target(%dma_start3A_152 : memref<80x128xf32, #tpu.memory_space<vmem_shared>>) target_semaphore(%run_scoped3A_148 : memref<!tpu.dma_semaphore, #tpu.memory_space<semaphore_mem>>)
        %dma_wait3A_153 = arith.constant 0 : i32
        %dma_wait3A_154 = tpu.memref_slice %arg16[%add3A_147, %dma_wait3A_153] : memref<10000x128xf32, #tpu.memory_space<vmem_shared>> -> memref<80x128xf32, #tpu.memory_space<vmem_shared>>
        %dma_wait3A_155 = arith.constant 0 : i32
        %dma_wait3A_156 = tpu.memref_slice %arg16[%add3A_147, %dma_wait3A_155] : memref<10000x128xf32, #tpu.memory_space<vmem_shared>> -> memref<80x128xf32, #tpu.memory_space<vmem_shared>>
        tpu.wait_dma2 semaphore(%run_scoped3A_148 : memref<!tpu.dma_semaphore, #tpu.memory_space<semaphore_mem>>) src(%arg13 : memref<80x128xf32, #tpu.memory_space<vmem>>) dst(%dma_wait3A_156 : memref<80x128xf32, #tpu.memory_space<vmem_shared>>)
        tpu.yield
      }) : () -> ()
      "tpu.region"() ({
        %run_scoped3A_148 = tpu.sem_alloc : memref<!tpu.dma_semaphore, #tpu.memory_space<semaphore_mem>>
        %dma_start3A_149 = tpu.memref_slice %arg17[%add3A_147] : memref<10000xf32, #tpu.memory_space<vmem_shared>> -> memref<80xf32, #tpu.memory_space<vmem_shared>>
        %dma_start3A_150 = tpu.memref_slice %arg17[%add3A_147] : memref<10000xf32, #tpu.memory_space<vmem_shared>> -> memref<80xf32, #tpu.memory_space<vmem_shared>>
        tpu.enqueue_dma source(%arg14 : memref<80xf32, #tpu.memory_space<vmem>>) target(%dma_start3A_150 : memref<80xf32, #tpu.memory_space<vmem_shared>>) target_semaphore(%run_scoped3A_148 : memref<!tpu.dma_semaphore, #tpu.memory_space<semaphore_mem>>)
        %dma_wait3A_151 = tpu.memref_slice %arg17[%add3A_147] : memref<10000xf32, #tpu.memory_space<vmem_shared>> -> memref<80xf32, #tpu.memory_space<vmem_shared>>
        %dma_wait3A_152 = tpu.memref_slice %arg17[%add3A_147] : memref<10000xf32, #tpu.memory_space<vmem_shared>> -> memref<80xf32, #tpu.memory_space<vmem_shared>>
        tpu.wait_dma2 semaphore(%run_scoped3A_148 : memref<!tpu.dma_semaphore, #tpu.memory_space<semaphore_mem>>) src(%arg14 : memref<80xf32, #tpu.memory_space<vmem>>) dst(%dma_wait3A_152 : memref<80xf32, #tpu.memory_space<vmem_shared>>)
        tpu.yield
      }) : () -> ()
    }
    %while3A_44 = arith.constant 1 : i32
    scf.for %while3A_142 = %while3A_42 to %while3A_38 step %while3A_44  : i32 {
      %mul3A_143 = arith.muli %while3A_142, %while3A : i32
      %add3A_144 = arith.addi %while3A_35, %mul3A_143 : i32
      %mul3A_145 = arith.constant 80 : i32
      %mul3A_146 = arith.muli %add3A_144, %mul3A_145 : i32
      %add3A_147 = arith.addi %mul3A_0, %mul3A_146 : i32
      "tpu.region"() ({
        %run_scoped3A_148 = tpu.sem_alloc : memref<!tpu.dma_semaphore, #tpu.memory_space<semaphore_mem>>
        %dma_start3A_149 = arith.constant 0 : i32
        %dma_start3A_150 = tpu.memref_slice %arg16[%add3A_147, %dma_start3A_149] : memref<10000x128xf32, #tpu.memory_space<vmem_shared>> -> memref<80x128xf32, #tpu.memory_space<vmem_shared>>
        %dma_start3A_151 = arith.constant 0 : i32
        %dma_start3A_152 = tpu.memref_slice %arg16[%add3A_147, %dma_start3A_151] : memref<10000x128xf32, #tpu.memory_space<vmem_shared>> -> memref<80x128xf32, #tpu.memory_space<vmem_shared>>
        tpu.enqueue_dma source(%arg13 : memref<80x128xf32, #tpu.memory_space<vmem>>) target(%dma_start3A_152 : memref<80x128xf32, #tpu.memory_space<vmem_shared>>) target_semaphore(%run_scoped3A_148 : memref<!tpu.dma_semaphore, #tpu.memory_space<semaphore_mem>>)
        %dma_wait3A_153 = arith.constant 0 : i32
        %dma_wait3A_154 = tpu.memref_slice %arg16[%add3A_147, %dma_wait3A_153] : memref<10000x128xf32, #tpu.memory_space<vmem_shared>> -> memref<80x128xf32, #tpu.memory_space<vmem_shared>>
        %dma_wait3A_155 = arith.constant 0 : i32
        %dma_wait3A_156 = tpu.memref_slice %arg16[%add3A_147, %dma_wait3A_155] : memref<10000x128xf32, #tpu.memory_space<vmem_shared>> -> memref<80x128xf32, #tpu.memory_space<vmem_shared>>
        tpu.wait_dma2 semaphore(%run_scoped3A_148 : memref<!tpu.dma_semaphore, #tpu.memory_space<semaphore_mem>>) src(%arg13 : memref<80x128xf32, #tpu.memory_space<vmem>>) dst(%dma_wait3A_156 : memref<80x128xf32, #tpu.memory_space<vmem_shared>>)
        tpu.yield
      }) : () -> ()
      "tpu.region"() ({
        %run_scoped3A_148 = tpu.sem_alloc : memref<!tpu.dma_semaphore, #tpu.memory_space<semaphore_mem>>
        %dma_start3A_149 = tpu.memref_slice %arg17[%add3A_147] : memref<10000xf32, #tpu.memory_space<vmem_shared>> -> memref<80xf32, #tpu.memory_space<vmem_shared>>
        %dma_start3A_150 = tpu.memref_slice %arg17[%add3A_147] : memref<10000xf32, #tpu.memory_space<vmem_shared>> -> memref<80xf32, #tpu.memory_space<vmem_shared>>
        tpu.enqueue_dma source(%arg14 : memref<80xf32, #tpu.memory_space<vmem>>) target(%dma_start3A_150 : memref<80xf32, #tpu.memory_space<vmem_shared>>) target_semaphore(%run_scoped3A_148 : memref<!tpu.dma_semaphore, #tpu.memory_space<semaphore_mem>>)
        %dma_wait3A_151 = tpu.memref_slice %arg17[%add3A_147] : memref<10000xf32, #tpu.memory_space<vmem_shared>> -> memref<80xf32, #tpu.memory_space<vmem_shared>>
        %dma_wait3A_152 = tpu.memref_slice %arg17[%add3A_147] : memref<10000xf32, #tpu.memory_space<vmem_shared>> -> memref<80xf32, #tpu.memory_space<vmem_shared>>
        tpu.wait_dma2 semaphore(%run_scoped3A_148 : memref<!tpu.dma_semaphore, #tpu.memory_space<semaphore_mem>>) src(%arg14 : memref<80xf32, #tpu.memory_space<vmem>>) dst(%dma_wait3A_152 : memref<80xf32, #tpu.memory_space<vmem_shared>>)
        tpu.yield
      }) : () -> ()
    }
    %barrier3A = arith.constant 0 : index
    tpu.barrier barrier_id(%barrier3A)
    %run_scoped3A = arith.constant 0 : i32
    "tpu.region"() ({
      %run_scoped3A_142 = tpu.sem_alloc : memref<!tpu.dma_semaphore, #tpu.memory_space<semaphore_mem>>
      %dma_start3A_143 = arith.constant 0 : i32
      %dma_start3A_144 = arith.constant 0 : i32
      %dma_start3A_145 = tpu.memref_slice %arg8[%run_scoped3A, %dma_start3A_143, %dma_start3A_144] : memref<2x2x40xi32, #tpu.memory_space<vmem>> -> memref<1x2x40xi32, #tpu.memory_space<vmem>>
      %dma_start3A_146 = tpu.memref_squeeze %dma_start3A_145 : memref<1x2x40xi32, #tpu.memory_space<vmem>> -> memref<2x40xi32, #tpu.memory_space<vmem>>
      %dma_start3A_147 = arith.constant 0 : i32
      %dma_start3A_148 = tpu.memref_slice %arg4[%mul3A_6, %dma_start3A_147] : memref<8000x40xi32, #tpu.memory_space<hbm>> -> memref<2x40xi32, #tpu.memory_space<hbm>>
      %dma_start3A_149 = arith.constant 0 : i32
      %dma_start3A_150 = arith.constant 0 : i32
      %dma_start3A_151 = tpu.memref_slice %arg8[%run_scoped3A, %dma_start3A_149, %dma_start3A_150] : memref<2x2x40xi32, #tpu.memory_space<vmem>> -> memref<1x2x40xi32, #tpu.memory_space<vmem>>
      %dma_start3A_152 = tpu.memref_squeeze %dma_start3A_151 : memref<1x2x40xi32, #tpu.memory_space<vmem>> -> memref<2x40xi32, #tpu.memory_space<vmem>>
      %dma_start3A_153 = arith.constant 0 : i32
      %dma_start3A_154 = tpu.memref_slice %arg4[%mul3A_6, %dma_start3A_153] : memref<8000x40xi32, #tpu.memory_space<hbm>> -> memref<2x40xi32, #tpu.memory_space<hbm>>
      tpu.enqueue_dma source(%dma_start3A_154 : memref<2x40xi32, #tpu.memory_space<hbm>>) target(%dma_start3A_152 : memref<2x40xi32, #tpu.memory_space<vmem>>) target_semaphore(%run_scoped3A_142 : memref<!tpu.dma_semaphore, #tpu.memory_space<semaphore_mem>>)
      %dma_wait3A_155 = arith.constant 0 : i32
      %dma_wait3A_156 = arith.constant 0 : i32
      %dma_wait3A_157 = tpu.memref_slice %arg8[%run_scoped3A, %dma_wait3A_155, %dma_wait3A_156] : memref<2x2x40xi32, #tpu.memory_space<vmem>> -> memref<1x2x40xi32, #tpu.memory_space<vmem>>
      %dma_wait3A_158 = tpu.memref_squeeze %dma_wait3A_157 : memref<1x2x40xi32, #tpu.memory_space<vmem>> -> memref<2x40xi32, #tpu.memory_space<vmem>>
      %dma_wait3A_159 = arith.constant 0 : i32
      %dma_wait3A_160 = tpu.memref_slice %arg4[%mul3A_6, %dma_wait3A_159] : memref<8000x40xi32, #tpu.memory_space<hbm>> -> memref<2x40xi32, #tpu.memory_space<hbm>>
      %dma_wait3A_161 = arith.constant 0 : i32
      %dma_wait3A_162 = arith.constant 0 : i32
      %dma_wait3A_163 = tpu.memref_slice %arg8[%run_scoped3A, %dma_wait3A_161, %dma_wait3A_162] : memref<2x2x40xi32, #tpu.memory_space<vmem>> -> memref<1x2x40xi32, #tpu.memory_space<vmem>>
      %dma_wait3A_164 = tpu.memref_squeeze %dma_wait3A_163 : memref<1x2x40xi32, #tpu.memory_space<vmem>> -> memref<2x40xi32, #tpu.memory_space<vmem>>
      %dma_wait3A_165 = arith.constant 0 : i32
      %dma_wait3A_166 = tpu.memref_slice %arg4[%mul3A_6, %dma_wait3A_165] : memref<8000x40xi32, #tpu.memory_space<hbm>> -> memref<2x40xi32, #tpu.memory_space<hbm>>
      tpu.wait_dma2 semaphore(%run_scoped3A_142 : memref<!tpu.dma_semaphore, #tpu.memory_space<semaphore_mem>>) src(%dma_wait3A_166 : memref<2x40xi32, #tpu.memory_space<hbm>>) dst(%dma_wait3A_164 : memref<2x40xi32, #tpu.memory_space<vmem>>)
      tpu.yield
    }) : () -> ()
    %run_scoped3A_45 = arith.constant 0 : i32
    "tpu.region"() ({
      %run_scoped3A_142 = tpu.sem_alloc : memref<!tpu.dma_semaphore, #tpu.memory_space<semaphore_mem>>
      %dma_start3A_143 = arith.constant 0 : i32
      %dma_start3A_144 = arith.constant 0 : i32
      %dma_start3A_145 = tpu.memref_slice %arg9[%run_scoped3A_45, %dma_start3A_143, %dma_start3A_144] : memref<2x2x40xi32, #tpu.memory_space<vmem>> -> memref<1x2x40xi32, #tpu.memory_space<vmem>>
      %dma_start3A_146 = tpu.memref_squeeze %dma_start3A_145 : memref<1x2x40xi32, #tpu.memory_space<vmem>> -> memref<2x40xi32, #tpu.memory_space<vmem>>
      %dma_start3A_147 = arith.constant 0 : i32
      %dma_start3A_148 = tpu.memref_slice %arg5[%mul3A_6, %dma_start3A_147] : memref<8000x40xi32, #tpu.memory_space<hbm>> -> memref<2x40xi32, #tpu.memory_space<hbm>>
      %dma_start3A_149 = arith.constant 0 : i32
      %dma_start3A_150 = arith.constant 0 : i32
      %dma_start3A_151 = tpu.memref_slice %arg9[%run_scoped3A_45, %dma_start3A_149, %dma_start3A_150] : memref<2x2x40xi32, #tpu.memory_space<vmem>> -> memref<1x2x40xi32, #tpu.memory_space<vmem>>
      %dma_start3A_152 = tpu.memref_squeeze %dma_start3A_151 : memref<1x2x40xi32, #tpu.memory_space<vmem>> -> memref<2x40xi32, #tpu.memory_space<vmem>>
      %dma_start3A_153 = arith.constant 0 : i32
      %dma_start3A_154 = tpu.memref_slice %arg5[%mul3A_6, %dma_start3A_153] : memref<8000x40xi32, #tpu.memory_space<hbm>> -> memref<2x40xi32, #tpu.memory_space<hbm>>
      tpu.enqueue_dma source(%dma_start3A_154 : memref<2x40xi32, #tpu.memory_space<hbm>>) target(%dma_start3A_152 : memref<2x40xi32, #tpu.memory_space<vmem>>) target_semaphore(%run_scoped3A_142 : memref<!tpu.dma_semaphore, #tpu.memory_space<semaphore_mem>>)
      %dma_wait3A_155 = arith.constant 0 : i32
      %dma_wait3A_156 = arith.constant 0 : i32
      %dma_wait3A_157 = tpu.memref_slice %arg9[%run_scoped3A_45, %dma_wait3A_155, %dma_wait3A_156] : memref<2x2x40xi32, #tpu.memory_space<vmem>> -> memref<1x2x40xi32, #tpu.memory_space<vmem>>
      %dma_wait3A_158 = tpu.memref_squeeze %dma_wait3A_157 : memref<1x2x40xi32, #tpu.memory_space<vmem>> -> memref<2x40xi32, #tpu.memory_space<vmem>>
      %dma_wait3A_159 = arith.constant 0 : i32
      %dma_wait3A_160 = tpu.memref_slice %arg5[%mul3A_6, %dma_wait3A_159] : memref<8000x40xi32, #tpu.memory_space<hbm>> -> memref<2x40xi32, #tpu.memory_space<hbm>>
      %dma_wait3A_161 = arith.constant 0 : i32
      %dma_wait3A_162 = arith.constant 0 : i32
      %dma_wait3A_163 = tpu.memref_slice %arg9[%run_scoped3A_45, %dma_wait3A_161, %dma_wait3A_162] : memref<2x2x40xi32, #tpu.memory_space<vmem>> -> memref<1x2x40xi32, #tpu.memory_space<vmem>>
      %dma_wait3A_164 = tpu.memref_squeeze %dma_wait3A_163 : memref<1x2x40xi32, #tpu.memory_space<vmem>> -> memref<2x40xi32, #tpu.memory_space<vmem>>
      %dma_wait3A_165 = arith.constant 0 : i32
      %dma_wait3A_166 = tpu.memref_slice %arg5[%mul3A_6, %dma_wait3A_165] : memref<8000x40xi32, #tpu.memory_space<hbm>> -> memref<2x40xi32, #tpu.memory_space<hbm>>
      tpu.wait_dma2 semaphore(%run_scoped3A_142 : memref<!tpu.dma_semaphore, #tpu.memory_space<semaphore_mem>>) src(%dma_wait3A_166 : memref<2x40xi32, #tpu.memory_space<hbm>>) dst(%dma_wait3A_164 : memref<2x40xi32, #tpu.memory_space<vmem>>)
      tpu.yield
    }) : () -> ()
    %run_scoped3A_46 = arith.constant 0 : i32
    "tpu.region"() ({
      %run_scoped3A_142 = tpu.sem_alloc : memref<!tpu.dma_semaphore, #tpu.memory_space<semaphore_mem>>
      %dma_start3A_143 = arith.constant 0 : i32
      %dma_start3A_144 = tpu.memref_slice %arg10[%run_scoped3A_46, %dma_start3A_143] : memref<2x80xi32, #tpu.memory_space<vmem>> -> memref<1x80xi32, #tpu.memory_space<vmem>>
      %dma_start3A_145 = tpu.memref_squeeze %dma_start3A_144 : memref<1x80xi32, #tpu.memory_space<vmem>> -> memref<80xi32, #tpu.memory_space<vmem>>
      %dma_start3A_146 = tpu.memref_slice %arg6[%add3A_16] : memref<320000xi32, #tpu.memory_space<hbm>> -> memref<80xi32, #tpu.memory_space<hbm>>
      %dma_start3A_147 = arith.constant 0 : i32
      %dma_start3A_148 = tpu.memref_slice %arg10[%run_scoped3A_46, %dma_start3A_147] : memref<2x80xi32, #tpu.memory_space<vmem>> -> memref<1x80xi32, #tpu.memory_space<vmem>>
      %dma_start3A_149 = tpu.memref_squeeze %dma_start3A_148 : memref<1x80xi32, #tpu.memory_space<vmem>> -> memref<80xi32, #tpu.memory_space<vmem>>
      %dma_start3A_150 = tpu.memref_slice %arg6[%add3A_16] : memref<320000xi32, #tpu.memory_space<hbm>> -> memref<80xi32, #tpu.memory_space<hbm>>
      tpu.enqueue_dma source(%dma_start3A_150 : memref<80xi32, #tpu.memory_space<hbm>>) target(%dma_start3A_149 : memref<80xi32, #tpu.memory_space<vmem>>) target_semaphore(%run_scoped3A_142 : memref<!tpu.dma_semaphore, #tpu.memory_space<semaphore_mem>>)
      %dma_wait3A_151 = arith.constant 0 : i32
      %dma_wait3A_152 = tpu.memref_slice %arg10[%run_scoped3A_46, %dma_wait3A_151] : memref<2x80xi32, #tpu.memory_space<vmem>> -> memref<1x80xi32, #tpu.memory_space<vmem>>
      %dma_wait3A_153 = tpu.memref_squeeze %dma_wait3A_152 : memref<1x80xi32, #tpu.memory_space<vmem>> -> memref<80xi32, #tpu.memory_space<vmem>>
      %dma_wait3A_154 = tpu.memref_slice %arg6[%add3A_16] : memref<320000xi32, #tpu.memory_space<hbm>> -> memref<80xi32, #tpu.memory_space<hbm>>
      %dma_wait3A_155 = arith.constant 0 : i32
      %dma_wait3A_156 = tpu.memref_slice %arg10[%run_scoped3A_46, %dma_wait3A_155] : memref<2x80xi32, #tpu.memory_space<vmem>> -> memref<1x80xi32, #tpu.memory_space<vmem>>
      %dma_wait3A_157 = tpu.memref_squeeze %dma_wait3A_156 : memref<1x80xi32, #tpu.memory_space<vmem>> -> memref<80xi32, #tpu.memory_space<vmem>>
      %dma_wait3A_158 = tpu.memref_slice %arg6[%add3A_16] : memref<320000xi32, #tpu.memory_space<hbm>> -> memref<80xi32, #tpu.memory_space<hbm>>
      tpu.wait_dma2 semaphore(%run_scoped3A_142 : memref<!tpu.dma_semaphore, #tpu.memory_space<semaphore_mem>>) src(%dma_wait3A_158 : memref<80xi32, #tpu.memory_space<hbm>>) dst(%dma_wait3A_157 : memref<80xi32, #tpu.memory_space<vmem>>)
      tpu.yield
    }) : () -> ()
    %dma_start3A = arith.constant 0 : i32
    %dma_start3A_47 = arith.constant 0 : i32
    %dma_start3A_48 = arith.constant 0 : i32
    %dma_start3A_49 = arith.constant 0 : i32
    %dma_start3A_50 = arith.constant 0 : i32
    %dma_start3A_51 = arith.constant 0 : i32
    %dma_start3A_52 = tpu.memref_slice %arg11[%dma_start3A_48, %dma_start3A_50, %dma_start3A_51] : memref<2x40x128xf32, #tpu.memory_space<vmem>> -> memref<1x40x128xf32, #tpu.memory_space<vmem>>
    %dma_start3A_53 = tpu.memref_squeeze %dma_start3A_52 : memref<1x40x128xf32, #tpu.memory_space<vmem>> -> memref<40x128xf32, #tpu.memory_space<vmem>>
    %dma_start3A_54 = arith.constant 0 : i32
    %dma_start3A_55 = tpu.memref_slice %arg8[%dma_start3A, %dma_start3A_47, %dma_start3A_54] : memref<2x2x40xi32, #tpu.memory_space<vmem>> -> memref<1x1x40xi32, #tpu.memory_space<vmem>>
    %dma_start3A_56 = tpu.memref_squeeze %dma_start3A_55 : memref<1x1x40xi32, #tpu.memory_space<vmem>> -> memref<40xi32, #tpu.memory_space<vmem>>
    %dma_start3A_57 = arith.constant 0 : i32
    %dma_start3A_58 = arith.constant 0 : i32
    %dma_start3A_59 = tpu.memref_slice %arg2[%dma_start3A_57, %dma_start3A_58] : memref<20000x128xf32, #tpu.memory_space<hbm>> -> memref<20000x128xf32, #tpu.memory_space<hbm>>
    %dma_start3A_60 = tpu.memref_slice %arg19[%dma_start3A_49] : memref<2x!tpu.dma_semaphore, #tpu.memory_space<semaphore_mem>> -> memref<1x!tpu.dma_semaphore, #tpu.memory_space<semaphore_mem>>
    %dma_start3A_61 = tpu.memref_squeeze %dma_start3A_60 : memref<1x!tpu.dma_semaphore, #tpu.memory_space<semaphore_mem>> -> memref<!tpu.dma_semaphore, #tpu.memory_space<semaphore_mem>>
    tpu.enqueue_indirect_dma source(%dma_start3A_59 : memref<20000x128xf32, #tpu.memory_space<hbm>>) target(%dma_start3A_53 : memref<40x128xf32, #tpu.memory_space<vmem>>) offsets(%dma_start3A_56 : memref<40xi32, #tpu.memory_space<vmem>>) semaphore(%dma_start3A_61 : memref<!tpu.dma_semaphore, #tpu.memory_space<semaphore_mem>>)
    %add3A_62 = arith.constant 0 : i32
    %add3A_63 = arith.addi %add3A_11, %add3A_62 : i32
    %dma_start3A_64 = arith.constant 0 : i32
    %dma_start3A_65 = arith.constant 0 : i32
    %dma_start3A_66 = arith.constant 0 : i32
    %dma_start3A_67 = arith.constant 0 : i32
    %dma_start3A_68 = tpu.memref_slice %arg12[%dma_start3A_64, %dma_start3A_66, %dma_start3A_67] : memref<2x40x128xf32, #tpu.memory_space<vmem>> -> memref<1x40x128xf32, #tpu.memory_space<vmem>>
    %dma_start3A_69 = tpu.memref_squeeze %dma_start3A_68 : memref<1x40x128xf32, #tpu.memory_space<vmem>> -> memref<40x128xf32, #tpu.memory_space<vmem>>
    %dma_start3A_70 = arith.constant 0 : i32
    %dma_start3A_71 = tpu.memref_slice %arg3[%add3A_63, %dma_start3A_70] : memref<320000x128xf32, #tpu.memory_space<hbm>> -> memref<40x128xf32, #tpu.memory_space<hbm>>
    %dma_start3A_72 = tpu.memref_slice %arg20[%dma_start3A_65] : memref<2x!tpu.dma_semaphore, #tpu.memory_space<semaphore_mem>> -> memref<1x!tpu.dma_semaphore, #tpu.memory_space<semaphore_mem>>
    %dma_start3A_73 = tpu.memref_squeeze %dma_start3A_72 : memref<1x!tpu.dma_semaphore, #tpu.memory_space<semaphore_mem>> -> memref<!tpu.dma_semaphore, #tpu.memory_space<semaphore_mem>>
    %dma_start3A_74 = arith.constant 0 : i32
    %dma_start3A_75 = arith.constant 0 : i32
    %dma_start3A_76 = tpu.memref_slice %arg12[%dma_start3A_64, %dma_start3A_74, %dma_start3A_75] : memref<2x40x128xf32, #tpu.memory_space<vmem>> -> memref<1x40x128xf32, #tpu.memory_space<vmem>>
    %dma_start3A_77 = tpu.memref_squeeze %dma_start3A_76 : memref<1x40x128xf32, #tpu.memory_space<vmem>> -> memref<40x128xf32, #tpu.memory_space<vmem>>
    %dma_start3A_78 = arith.constant 0 : i32
    %dma_start3A_79 = tpu.memref_slice %arg3[%add3A_63, %dma_start3A_78] : memref<320000x128xf32, #tpu.memory_space<hbm>> -> memref<40x128xf32, #tpu.memory_space<hbm>>
    tpu.enqueue_dma source(%dma_start3A_79 : memref<40x128xf32, #tpu.memory_space<hbm>>) target(%dma_start3A_77 : memref<40x128xf32, #tpu.memory_space<vmem>>) target_semaphore(%dma_start3A_73 : memref<!tpu.dma_semaphore, #tpu.memory_space<semaphore_mem>>)
    %scan3A_80 = arith.constant 0 : i32
    %scan3A_81 = arith.constant 125 : i32
    %scan3A_82 = arith.addi %scan3A_80, %scan3A_81 : i32
    %scan3A_83 = arith.constant 1 : i32
    scf.for %scan3A_142 = %scan3A_80 to %scan3A_82 step %scan3A_83  : i32 {
      %mul3A_143 = arith.constant 1 : i32
      %mul3A_144 = arith.muli %scan3A_142, %mul3A_143 : i32
      %add3A_145 = arith.constant 0 : i32
      %add3A_146 = arith.addi %add3A_145, %mul3A_144 : i32
      %rem3A = arith.constant 2 : i32
      %rem3A_147 = arith.remsi %add3A_146, %rem3A : i32
      %ge3A = arith.constant 1 : i32
      %ge3A_148 = arith.cmpi sge, %add3A_146, %ge3A : i32
      %convert_element_type3A = arith.extui %ge3A_148 : i1 to i32
      %cond3A = arith.constant 0 : i32
      %cond3A_149 = arith.cmpi ne, %convert_element_type3A, %cond3A : i32
      scf.if %cond3A_149 {
        %dma_wait3A_316 = arith.constant 1 : i32
        %dma_wait3A_317 = arith.constant 0 : i32
        %dma_wait3A_318 = arith.constant 0 : i32
        %dma_wait3A_319 = arith.constant 1 : i32
        %dma_wait3A_320 = arith.constant 0 : i32
        %dma_wait3A_321 = arith.constant 0 : i32
        %dma_wait3A_322 = tpu.memref_slice %arg11[%dma_wait3A_316, %dma_wait3A_320, %dma_wait3A_321] : memref<2x40x128xf32, #tpu.memory_space<vmem>> -> memref<1x40x128xf32, #tpu.memory_space<vmem>>
        %dma_wait3A_323 = tpu.memref_squeeze %dma_wait3A_322 : memref<1x40x128xf32, #tpu.memory_space<vmem>> -> memref<40x128xf32, #tpu.memory_space<vmem>>
        %dma_wait3A_324 = arith.constant 0 : i32
        %dma_wait3A_325 = tpu.memref_slice %arg9[%dma_wait3A_317, %dma_wait3A_318, %dma_wait3A_324] : memref<2x2x40xi32, #tpu.memory_space<vmem>> -> memref<1x1x40xi32, #tpu.memory_space<vmem>>
        %dma_wait3A_326 = tpu.memref_squeeze %dma_wait3A_325 : memref<1x1x40xi32, #tpu.memory_space<vmem>> -> memref<40xi32, #tpu.memory_space<vmem>>
        %dma_wait3A_327 = arith.constant 0 : i32
        %dma_wait3A_328 = arith.constant 0 : i32
        %dma_wait3A_329 = tpu.memref_slice %arg16[%dma_wait3A_327, %dma_wait3A_328] : memref<10000x128xf32, #tpu.memory_space<vmem_shared>> -> memref<10000x128xf32, #tpu.memory_space<vmem_shared>>
        %dma_wait3A_330 = tpu.memref_slice %arg21[%dma_wait3A_319] : memref<2x!tpu.dma_semaphore, #tpu.memory_space<semaphore_mem>> -> memref<1x!tpu.dma_semaphore, #tpu.memory_space<semaphore_mem>>
        %dma_wait3A_331 = tpu.memref_squeeze %dma_wait3A_330 : memref<1x!tpu.dma_semaphore, #tpu.memory_space<semaphore_mem>> -> memref<!tpu.dma_semaphore, #tpu.memory_space<semaphore_mem>>
        tpu.wait_indirect_dma semaphore(%dma_wait3A_331 : memref<!tpu.dma_semaphore, #tpu.memory_space<semaphore_mem>>) src(%dma_wait3A_323 : memref<40x128xf32, #tpu.memory_space<vmem>>) dst(%dma_wait3A_329 : memref<10000x128xf32, #tpu.memory_space<vmem_shared>>)
      } else {
      }
      %mul3A_150 = arith.constant 2 : i32
      %mul3A_151 = arith.muli %mul3A_150, %add3A_146 : i32
      %add3A_152 = arith.constant 1 : i32
      %add3A_153 = arith.addi %mul3A_151, %add3A_152 : i32
      %dma_start3A_154 = arith.constant 1 : i32
      %dma_start3A_155 = arith.constant 1 : i32
      %dma_start3A_156 = arith.constant 1 : i32
      %dma_start3A_157 = arith.constant 0 : i32
      %dma_start3A_158 = arith.constant 0 : i32
      %dma_start3A_159 = tpu.memref_slice %arg11[%dma_start3A_155, %dma_start3A_157, %dma_start3A_158] : memref<2x40x128xf32, #tpu.memory_space<vmem>> -> memref<1x40x128xf32, #tpu.memory_space<vmem>>
      %dma_start3A_160 = tpu.memref_squeeze %dma_start3A_159 : memref<1x40x128xf32, #tpu.memory_space<vmem>> -> memref<40x128xf32, #tpu.memory_space<vmem>>
      %dma_start3A_161 = arith.constant 0 : i32
      %dma_start3A_162 = tpu.memref_slice %arg8[%rem3A_147, %dma_start3A_154, %dma_start3A_161] : memref<2x2x40xi32, #tpu.memory_space<vmem>> -> memref<1x1x40xi32, #tpu.memory_space<vmem>>
      %dma_start3A_163 = tpu.memref_squeeze %dma_start3A_162 : memref<1x1x40xi32, #tpu.memory_space<vmem>> -> memref<40xi32, #tpu.memory_space<vmem>>
      %dma_start3A_164 = arith.constant 0 : i32
      %dma_start3A_165 = arith.constant 0 : i32
      %dma_start3A_166 = tpu.memref_slice %arg2[%dma_start3A_164, %dma_start3A_165] : memref<20000x128xf32, #tpu.memory_space<hbm>> -> memref<20000x128xf32, #tpu.memory_space<hbm>>
      %dma_start3A_167 = tpu.memref_slice %arg19[%dma_start3A_156] : memref<2x!tpu.dma_semaphore, #tpu.memory_space<semaphore_mem>> -> memref<1x!tpu.dma_semaphore, #tpu.memory_space<semaphore_mem>>
      %dma_start3A_168 = tpu.memref_squeeze %dma_start3A_167 : memref<1x!tpu.dma_semaphore, #tpu.memory_space<semaphore_mem>> -> memref<!tpu.dma_semaphore, #tpu.memory_space<semaphore_mem>>
      tpu.enqueue_indirect_dma source(%dma_start3A_166 : memref<20000x128xf32, #tpu.memory_space<hbm>>) target(%dma_start3A_160 : memref<40x128xf32, #tpu.memory_space<vmem>>) offsets(%dma_start3A_163 : memref<40xi32, #tpu.memory_space<vmem>>) semaphore(%dma_start3A_168 : memref<!tpu.dma_semaphore, #tpu.memory_space<semaphore_mem>>)
      %mul3A_169 = arith.constant 40 : i32
      %mul3A_170 = arith.muli %add3A_153, %mul3A_169 : i32
      %add3A_171 = arith.addi %add3A_11, %mul3A_170 : i32
      %dma_start3A_172 = arith.constant 1 : i32
      %dma_start3A_173 = arith.constant 1 : i32
      %dma_start3A_174 = arith.constant 0 : i32
      %dma_start3A_175 = arith.constant 0 : i32
      %dma_start3A_176 = tpu.memref_slice %arg12[%dma_start3A_172, %dma_start3A_174, %dma_start3A_175] : memref<2x40x128xf32, #tpu.memory_space<vmem>> -> memref<1x40x128xf32, #tpu.memory_space<vmem>>
      %dma_start3A_177 = tpu.memref_squeeze %dma_start3A_176 : memref<1x40x128xf32, #tpu.memory_space<vmem>> -> memref<40x128xf32, #tpu.memory_space<vmem>>
      %dma_start3A_178 = arith.constant 0 : i32
      %dma_start3A_179 = tpu.memref_slice %arg3[%add3A_171, %dma_start3A_178] : memref<320000x128xf32, #tpu.memory_space<hbm>> -> memref<40x128xf32, #tpu.memory_space<hbm>>
      %dma_start3A_180 = tpu.memref_slice %arg20[%dma_start3A_173] : memref<2x!tpu.dma_semaphore, #tpu.memory_space<semaphore_mem>> -> memref<1x!tpu.dma_semaphore, #tpu.memory_space<semaphore_mem>>
      %dma_start3A_181 = tpu.memref_squeeze %dma_start3A_180 : memref<1x!tpu.dma_semaphore, #tpu.memory_space<semaphore_mem>> -> memref<!tpu.dma_semaphore, #tpu.memory_space<semaphore_mem>>
      %dma_start3A_182 = arith.constant 0 : i32
      %dma_start3A_183 = arith.constant 0 : i32
      %dma_start3A_184 = tpu.memref_slice %arg12[%dma_start3A_172, %dma_start3A_182, %dma_start3A_183] : memref<2x40x128xf32, #tpu.memory_space<vmem>> -> memref<1x40x128xf32, #tpu.memory_space<vmem>>
      %dma_start3A_185 = tpu.memref_squeeze %dma_start3A_184 : memref<1x40x128xf32, #tpu.memory_space<vmem>> -> memref<40x128xf32, #tpu.memory_space<vmem>>
      %dma_start3A_186 = arith.constant 0 : i32
      %dma_start3A_187 = tpu.memref_slice %arg3[%add3A_171, %dma_start3A_186] : memref<320000x128xf32, #tpu.memory_space<hbm>> -> memref<40x128xf32, #tpu.memory_space<hbm>>
      tpu.enqueue_dma source(%dma_start3A_187 : memref<40x128xf32, #tpu.memory_space<hbm>>) target(%dma_start3A_185 : memref<40x128xf32, #tpu.memory_space<vmem>>) target_semaphore(%dma_start3A_181 : memref<!tpu.dma_semaphore, #tpu.memory_space<semaphore_mem>>)
      %ge3A_188 = arith.constant 1 : i32
      %ge3A_189 = arith.cmpi sge, %add3A_146, %ge3A_188 : i32
      %convert_element_type3A_190 = arith.extui %ge3A_189 : i1 to i32
      %cond3A_191 = arith.constant 0 : i32
      %cond3A_192 = arith.cmpi ne, %convert_element_type3A_190, %cond3A_191 : i32
      scf.if %cond3A_192 {
        %dma_wait3A_316 = arith.constant 0 : i32
        %dma_wait3A_317 = arith.constant 0 : i32
        %dma_wait3A_318 = tpu.memref_slice %arg10[%dma_wait3A_316, %dma_wait3A_317] : memref<2x80xi32, #tpu.memory_space<vmem>> -> memref<1x80xi32, #tpu.memory_space<vmem>>
        %dma_wait3A_319 = tpu.memref_squeeze %dma_wait3A_318 : memref<1x80xi32, #tpu.memory_space<vmem>> -> memref<80xi32, #tpu.memory_space<vmem>>
        %dma_wait3A_320 = arith.constant 0 : i32
        %dma_wait3A_321 = tpu.memref_slice %arg17[%dma_wait3A_320] : memref<10000xf32, #tpu.memory_space<vmem_shared>> -> memref<10000xf32, #tpu.memory_space<vmem_shared>>
        tpu.wait_indirect_dma semaphore(%arg22 : memref<!tpu.dma_semaphore, #tpu.memory_space<semaphore_mem>>) src(%arg15 : memref<80xf32, #tpu.memory_space<vmem>>) dst(%dma_wait3A_321 : memref<10000xf32, #tpu.memory_space<vmem_shared>>)
      } else {
      }
      %add3A_193 = arith.constant 1 : i32
      %add3A_194 = arith.addi %add3A_146, %add3A_193 : i32
      %lt3A_195 = arith.constant 125 : i32
      %lt3A_196 = arith.cmpi slt, %add3A_194, %lt3A_195 : i32
      %convert_element_type3A_197 = arith.extui %lt3A_196 : i1 to i32
      %cond3A_198 = arith.constant 0 : i32
      %cond3A_199 = arith.cmpi ne, %convert_element_type3A_197, %cond3A_198 : i32
      scf.if %cond3A_199 {
        %add3A_316 = arith.constant 1 : i32
        %add3A_317 = arith.addi %add3A_146, %add3A_316 : i32
        %rem3A_318 = arith.constant 2 : i32
        %rem3A_319 = arith.remsi %add3A_317, %rem3A_318 : i32
        %mul3A_320 = arith.constant 2 : i32
        %mul3A_321 = arith.muli %mul3A_320, %add3A_317 : i32
        %add3A_322 = arith.addi %mul3A_6, %mul3A_321 : i32
        %dma_start3A_323 = arith.constant 0 : i32
        %dma_start3A_324 = arith.constant 0 : i32
        %dma_start3A_325 = tpu.memref_slice %arg8[%rem3A_319, %dma_start3A_323, %dma_start3A_324] : memref<2x2x40xi32, #tpu.memory_space<vmem>> -> memref<1x2x40xi32, #tpu.memory_space<vmem>>
        %dma_start3A_326 = tpu.memref_squeeze %dma_start3A_325 : memref<1x2x40xi32, #tpu.memory_space<vmem>> -> memref<2x40xi32, #tpu.memory_space<vmem>>
        %dma_start3A_327 = arith.constant 0 : i32
        %dma_start3A_328 = tpu.memref_slice %arg4[%add3A_322, %dma_start3A_327] : memref<8000x40xi32, #tpu.memory_space<hbm>> -> memref<2x40xi32, #tpu.memory_space<hbm>>
        %dma_start3A_329 = tpu.memref_slice %arg18[%rem3A_319] : memref<2x!tpu.dma_semaphore, #tpu.memory_space<semaphore_mem>> -> memref<1x!tpu.dma_semaphore, #tpu.memory_space<semaphore_mem>>
        %dma_start3A_330 = tpu.memref_squeeze %dma_start3A_329 : memref<1x!tpu.dma_semaphore, #tpu.memory_space<semaphore_mem>> -> memref<!tpu.dma_semaphore, #tpu.memory_space<semaphore_mem>>
        %dma_start3A_331 = arith.constant 0 : i32
        %dma_start3A_332 = arith.constant 0 : i32
        %dma_start3A_333 = tpu.memref_slice %arg8[%rem3A_319, %dma_start3A_331, %dma_start3A_332] : memref<2x2x40xi32, #tpu.memory_space<vmem>> -> memref<1x2x40xi32, #tpu.memory_space<vmem>>
        %dma_start3A_334 = tpu.memref_squeeze %dma_start3A_333 : memref<1x2x40xi32, #tpu.memory_space<vmem>> -> memref<2x40xi32, #tpu.memory_space<vmem>>
        %dma_start3A_335 = arith.constant 0 : i32
        %dma_start3A_336 = tpu.memref_slice %arg4[%add3A_322, %dma_start3A_335] : memref<8000x40xi32, #tpu.memory_space<hbm>> -> memref<2x40xi32, #tpu.memory_space<hbm>>
        tpu.enqueue_dma source(%dma_start3A_336 : memref<2x40xi32, #tpu.memory_space<hbm>>) target(%dma_start3A_334 : memref<2x40xi32, #tpu.memory_space<vmem>>) target_semaphore(%dma_start3A_330 : memref<!tpu.dma_semaphore, #tpu.memory_space<semaphore_mem>>)
        %mul3A_337 = arith.constant 2 : i32
        %mul3A_338 = arith.muli %mul3A_337, %add3A_317 : i32
        %add3A_339 = arith.addi %mul3A_6, %mul3A_338 : i32
        %dma_start3A_340 = arith.constant 0 : i32
        %dma_start3A_341 = arith.constant 0 : i32
        %dma_start3A_342 = tpu.memref_slice %arg9[%rem3A_319, %dma_start3A_340, %dma_start3A_341] : memref<2x2x40xi32, #tpu.memory_space<vmem>> -> memref<1x2x40xi32, #tpu.memory_space<vmem>>
        %dma_start3A_343 = tpu.memref_squeeze %dma_start3A_342 : memref<1x2x40xi32, #tpu.memory_space<vmem>> -> memref<2x40xi32, #tpu.memory_space<vmem>>
        %dma_start3A_344 = arith.constant 0 : i32
        %dma_start3A_345 = tpu.memref_slice %arg5[%add3A_339, %dma_start3A_344] : memref<8000x40xi32, #tpu.memory_space<hbm>> -> memref<2x40xi32, #tpu.memory_space<hbm>>
        %dma_start3A_346 = tpu.memref_slice %arg18[%rem3A_319] : memref<2x!tpu.dma_semaphore, #tpu.memory_space<semaphore_mem>> -> memref<1x!tpu.dma_semaphore, #tpu.memory_space<semaphore_mem>>
        %dma_start3A_347 = tpu.memref_squeeze %dma_start3A_346 : memref<1x!tpu.dma_semaphore, #tpu.memory_space<semaphore_mem>> -> memref<!tpu.dma_semaphore, #tpu.memory_space<semaphore_mem>>
        %dma_start3A_348 = arith.constant 0 : i32
        %dma_start3A_349 = arith.constant 0 : i32
        %dma_start3A_350 = tpu.memref_slice %arg9[%rem3A_319, %dma_start3A_348, %dma_start3A_349] : memref<2x2x40xi32, #tpu.memory_space<vmem>> -> memref<1x2x40xi32, #tpu.memory_space<vmem>>
        %dma_start3A_351 = tpu.memref_squeeze %dma_start3A_350 : memref<1x2x40xi32, #tpu.memory_space<vmem>> -> memref<2x40xi32, #tpu.memory_space<vmem>>
        %dma_start3A_352 = arith.constant 0 : i32
        %dma_start3A_353 = tpu.memref_slice %arg5[%add3A_339, %dma_start3A_352] : memref<8000x40xi32, #tpu.memory_space<hbm>> -> memref<2x40xi32, #tpu.memory_space<hbm>>
        tpu.enqueue_dma source(%dma_start3A_353 : memref<2x40xi32, #tpu.memory_space<hbm>>) target(%dma_start3A_351 : memref<2x40xi32, #tpu.memory_space<vmem>>) target_semaphore(%dma_start3A_347 : memref<!tpu.dma_semaphore, #tpu.memory_space<semaphore_mem>>)
        %mul3A_354 = arith.constant 2 : i32
        %mul3A_355 = arith.muli %add3A_317, %mul3A_354 : i32
        %mul3A_356 = arith.constant 40 : i32
        %mul3A_357 = arith.muli %mul3A_355, %mul3A_356 : i32
        %add3A_358 = arith.addi %add3A_16, %mul3A_357 : i32
        %dma_start3A_359 = arith.constant 0 : i32
        %dma_start3A_360 = tpu.memref_slice %arg10[%rem3A_319, %dma_start3A_359] : memref<2x80xi32, #tpu.memory_space<vmem>> -> memref<1x80xi32, #tpu.memory_space<vmem>>
        %dma_start3A_361 = tpu.memref_squeeze %dma_start3A_360 : memref<1x80xi32, #tpu.memory_space<vmem>> -> memref<80xi32, #tpu.memory_space<vmem>>
        %dma_start3A_362 = tpu.memref_slice %arg6[%add3A_358] : memref<320000xi32, #tpu.memory_space<hbm>> -> memref<80xi32, #tpu.memory_space<hbm>>
        %dma_start3A_363 = tpu.memref_slice %arg18[%rem3A_319] : memref<2x!tpu.dma_semaphore, #tpu.memory_space<semaphore_mem>> -> memref<1x!tpu.dma_semaphore, #tpu.memory_space<semaphore_mem>>
        %dma_start3A_364 = tpu.memref_squeeze %dma_start3A_363 : memref<1x!tpu.dma_semaphore, #tpu.memory_space<semaphore_mem>> -> memref<!tpu.dma_semaphore, #tpu.memory_space<semaphore_mem>>
        %dma_start3A_365 = arith.constant 0 : i32
        %dma_start3A_366 = tpu.memref_slice %arg10[%rem3A_319, %dma_start3A_365] : memref<2x80xi32, #tpu.memory_space<vmem>> -> memref<1x80xi32, #tpu.memory_space<vmem>>
        %dma_start3A_367 = tpu.memref_squeeze %dma_start3A_366 : memref<1x80xi32, #tpu.memory_space<vmem>> -> memref<80xi32, #tpu.memory_space<vmem>>
        %dma_start3A_368 = tpu.memref_slice %arg6[%add3A_358] : memref<320000xi32, #tpu.memory_space<hbm>> -> memref<80xi32, #tpu.memory_space<hbm>>
        tpu.enqueue_dma source(%dma_start3A_368 : memref<80xi32, #tpu.memory_space<hbm>>) target(%dma_start3A_367 : memref<80xi32, #tpu.memory_space<vmem>>) target_semaphore(%dma_start3A_364 : memref<!tpu.dma_semaphore, #tpu.memory_space<semaphore_mem>>)
      } else {
      }
      %dma_start3A_200 = arith.constant 0 : i32
      %dma_start3A_201 = tpu.memref_slice %arg10[%rem3A_147, %dma_start3A_200] : memref<2x80xi32, #tpu.memory_space<vmem>> -> memref<1x80xi32, #tpu.memory_space<vmem>>
      %dma_start3A_202 = tpu.memref_squeeze %dma_start3A_201 : memref<1x80xi32, #tpu.memory_space<vmem>> -> memref<80xi32, #tpu.memory_space<vmem>>
      %dma_start3A_203 = arith.constant 0 : i32
      %dma_start3A_204 = tpu.memref_slice %arg17[%dma_start3A_203] : memref<10000xf32, #tpu.memory_space<vmem_shared>> -> memref<10000xf32, #tpu.memory_space<vmem_shared>>
      tpu.enqueue_indirect_dma source(%arg15 : memref<80xf32, #tpu.memory_space<vmem>>) target(%dma_start3A_204 : memref<10000xf32, #tpu.memory_space<vmem_shared>>) offsets(%dma_start3A_202 : memref<80xi32, #tpu.memory_space<vmem>>) semaphore(%arg22 : memref<!tpu.dma_semaphore, #tpu.memory_space<semaphore_mem>>) {add = true}
      %dma_wait3A_205 = arith.constant 0 : i32
      %dma_wait3A_206 = arith.constant 0 : i32
      %dma_wait3A_207 = arith.constant 0 : i32
      %dma_wait3A_208 = arith.constant 0 : i32
      %dma_wait3A_209 = arith.constant 0 : i32
      %dma_wait3A_210 = arith.constant 0 : i32
      %dma_wait3A_211 = tpu.memref_slice %arg11[%dma_wait3A_207, %dma_wait3A_209, %dma_wait3A_210] : memref<2x40x128xf32, #tpu.memory_space<vmem>> -> memref<1x40x128xf32, #tpu.memory_space<vmem>>
      %dma_wait3A_212 = tpu.memref_squeeze %dma_wait3A_211 : memref<1x40x128xf32, #tpu.memory_space<vmem>> -> memref<40x128xf32, #tpu.memory_space<vmem>>
      %dma_wait3A_213 = arith.constant 0 : i32
      %dma_wait3A_214 = tpu.memref_slice %arg8[%dma_wait3A_205, %dma_wait3A_206, %dma_wait3A_213] : memref<2x2x40xi32, #tpu.memory_space<vmem>> -> memref<1x1x40xi32, #tpu.memory_space<vmem>>
      %dma_wait3A_215 = tpu.memref_squeeze %dma_wait3A_214 : memref<1x1x40xi32, #tpu.memory_space<vmem>> -> memref<40xi32, #tpu.memory_space<vmem>>
      %dma_wait3A_216 = arith.constant 0 : i32
      %dma_wait3A_217 = arith.constant 0 : i32
      %dma_wait3A_218 = tpu.memref_slice %arg2[%dma_wait3A_216, %dma_wait3A_217] : memref<20000x128xf32, #tpu.memory_space<hbm>> -> memref<20000x128xf32, #tpu.memory_space<hbm>>
      %dma_wait3A_219 = tpu.memref_slice %arg19[%dma_wait3A_208] : memref<2x!tpu.dma_semaphore, #tpu.memory_space<semaphore_mem>> -> memref<1x!tpu.dma_semaphore, #tpu.memory_space<semaphore_mem>>
      %dma_wait3A_220 = tpu.memref_squeeze %dma_wait3A_219 : memref<1x!tpu.dma_semaphore, #tpu.memory_space<semaphore_mem>> -> memref<!tpu.dma_semaphore, #tpu.memory_space<semaphore_mem>>
      tpu.wait_indirect_dma semaphore(%dma_wait3A_220 : memref<!tpu.dma_semaphore, #tpu.memory_space<semaphore_mem>>) src(%dma_wait3A_218 : memref<20000x128xf32, #tpu.memory_space<hbm>>) dst(%dma_wait3A_212 : memref<40x128xf32, #tpu.memory_space<vmem>>)
      %dma_wait3A_221 = arith.constant 0 : i32
      %dma_wait3A_222 = arith.constant 0 : i32
      %dma_wait3A_223 = arith.constant 0 : i32
      %dma_wait3A_224 = arith.constant 0 : i32
      %dma_wait3A_225 = tpu.memref_slice %arg12[%dma_wait3A_221, %dma_wait3A_223, %dma_wait3A_224] : memref<2x40x128xf32, #tpu.memory_space<vmem>> -> memref<1x40x128xf32, #tpu.memory_space<vmem>>
      %dma_wait3A_226 = tpu.memref_squeeze %dma_wait3A_225 : memref<1x40x128xf32, #tpu.memory_space<vmem>> -> memref<40x128xf32, #tpu.memory_space<vmem>>
      %dma_wait3A_227 = arith.constant 0 : i32
      %dma_wait3A_228 = tpu.memref_slice %arg3[%add3A_11, %dma_wait3A_227] : memref<320000x128xf32, #tpu.memory_space<hbm>> -> memref<40x128xf32, #tpu.memory_space<hbm>>
      %dma_wait3A_229 = tpu.memref_slice %arg20[%dma_wait3A_222] : memref<2x!tpu.dma_semaphore, #tpu.memory_space<semaphore_mem>> -> memref<1x!tpu.dma_semaphore, #tpu.memory_space<semaphore_mem>>
      %dma_wait3A_230 = tpu.memref_squeeze %dma_wait3A_229 : memref<1x!tpu.dma_semaphore, #tpu.memory_space<semaphore_mem>> -> memref<!tpu.dma_semaphore, #tpu.memory_space<semaphore_mem>>
      %dma_wait3A_231 = arith.constant 0 : i32
      %dma_wait3A_232 = arith.constant 0 : i32
      %dma_wait3A_233 = tpu.memref_slice %arg12[%dma_wait3A_221, %dma_wait3A_231, %dma_wait3A_232] : memref<2x40x128xf32, #tpu.memory_space<vmem>> -> memref<1x40x128xf32, #tpu.memory_space<vmem>>
      %dma_wait3A_234 = tpu.memref_squeeze %dma_wait3A_233 : memref<1x40x128xf32, #tpu.memory_space<vmem>> -> memref<40x128xf32, #tpu.memory_space<vmem>>
      %dma_wait3A_235 = arith.constant 0 : i32
      %dma_wait3A_236 = tpu.memref_slice %arg3[%add3A_11, %dma_wait3A_235] : memref<320000x128xf32, #tpu.memory_space<hbm>> -> memref<40x128xf32, #tpu.memory_space<hbm>>
      tpu.wait_dma2 semaphore(%dma_wait3A_230 : memref<!tpu.dma_semaphore, #tpu.memory_space<semaphore_mem>>) src(%dma_wait3A_236 : memref<40x128xf32, #tpu.memory_space<hbm>>) dst(%dma_wait3A_234 : memref<40x128xf32, #tpu.memory_space<vmem>>)
      %scan3A_237 = arith.constant 0 : i32
      %scan3A_238 = arith.constant 40 : i32
      %scan3A_239 = arith.addi %scan3A_237, %scan3A_238 : i32
      %scan3A_240 = arith.constant 1 : i32
      scf.for %scan3A_316 = %scan3A_237 to %scan3A_239 step %scan3A_240  : i32 {
        %mul3A_317 = arith.constant 1 : i32
        %mul3A_318 = arith.muli %scan3A_316, %mul3A_317 : i32
        %add3A_319 = arith.constant 0 : i32
        %add3A_320 = arith.addi %add3A_319, %mul3A_318 : i32
        %get3A = arith.constant 0 : i32
        %get3A_321 = arith.index_cast %get3A : i32 to index
        %get3A_322 = arith.index_cast %add3A_320 : i32 to index
        %get3A_323 = arith.constant 0 : index
        %get3A_324 = tpu.vector_load %arg11[%get3A_321, %get3A_322, %get3A_323] {strides = array<i32>} : memref<2x40x128xf32, #tpu.memory_space<vmem>>, vector<1x1x16xf32>,
        %get3A_325 = vector.shape_cast %get3A_324 : vector<1x1x16xf32> to vector<16xf32>
        %get3A_326 = arith.constant 0 : i32
        %get3A_327 = arith.index_cast %get3A_326 : i32 to index
        %get3A_328 = arith.index_cast %add3A_320 : i32 to index
        %get3A_329 = arith.constant 0 : index
        %get3A_330 = tpu.vector_load %arg12[%get3A_327, %get3A_328, %get3A_329] {strides = array<i32>} : memref<2x40x128xf32, #tpu.memory_space<vmem>>, vector<1x1x16xf32>,
        %get3A_331 = vector.shape_cast %get3A_330 : vector<1x1x16xf32> to vector<16xf32>
        %mul3A_332 = arith.mulf %get3A_325, %get3A_331 : vector<16xf32>
        %swap3A = arith.constant 0 : i32
        %swap3A_333 = arith.index_cast %swap3A : i32 to index
        %swap3A_334 = arith.index_cast %add3A_320 : i32 to index
        %swap3A_335 = arith.constant 0 : index
        %swap3A_336 = tpu.vector_load %arg11[%swap3A_333, %swap3A_334, %swap3A_335] {strides = array<i32>} : memref<2x40x128xf32, #tpu.memory_space<vmem>>, vector<1x1x16xf32>,
        %swap3A_337 = vector.shape_cast %swap3A_336 : vector<1x1x16xf32> to vector<16xf32>
        %swap3A_338 = vector.shape_cast %mul3A_332 : vector<16xf32> to vector<1x1x16xf32>
        tpu.vector_store %arg11[%swap3A_333, %swap3A_334, %swap3A_335], %swap3A_338 {strides = array<i32>} : memref<2x40x128xf32, #tpu.memory_space<vmem>>, vector<1x1x16xf32>,
        %get3A_339 = arith.constant 0 : i32
        %get3A_340 = arith.index_cast %get3A_339 : i32 to index
        %get3A_341 = arith.index_cast %add3A_320 : i32 to index
        %get3A_342 = arith.constant 16 : index
        %get3A_343 = tpu.vector_load %arg11[%get3A_340, %get3A_341, %get3A_342] {strides = array<i32>} : memref<2x40x128xf32, #tpu.memory_space<vmem>>, vector<1x1x16xf32>,
        %get3A_344 = vector.shape_cast %get3A_343 : vector<1x1x16xf32> to vector<16xf32>
        %get3A_345 = arith.constant 0 : i32
        %get3A_346 = arith.index_cast %get3A_345 : i32 to index
        %get3A_347 = arith.index_cast %add3A_320 : i32 to index
        %get3A_348 = arith.constant 16 : index
        %get3A_349 = tpu.vector_load %arg12[%get3A_346, %get3A_347, %get3A_348] {strides = array<i32>} : memref<2x40x128xf32, #tpu.memory_space<vmem>>, vector<1x1x16xf32>,
        %get3A_350 = vector.shape_cast %get3A_349 : vector<1x1x16xf32> to vector<16xf32>
        %mul3A_351 = arith.mulf %get3A_344, %get3A_350 : vector<16xf32>
        %swap3A_352 = arith.constant 0 : i32
        %swap3A_353 = arith.index_cast %swap3A_352 : i32 to index
        %swap3A_354 = arith.index_cast %add3A_320 : i32 to index
        %swap3A_355 = arith.constant 16 : index
        %swap3A_356 = tpu.vector_load %arg11[%swap3A_353, %swap3A_354, %swap3A_355] {strides = array<i32>} : memref<2x40x128xf32, #tpu.memory_space<vmem>>, vector<1x1x16xf32>,
        %swap3A_357 = vector.shape_cast %swap3A_356 : vector<1x1x16xf32> to vector<16xf32>
        %swap3A_358 = vector.shape_cast %mul3A_351 : vector<16xf32> to vector<1x1x16xf32>
        tpu.vector_store %arg11[%swap3A_353, %swap3A_354, %swap3A_355], %swap3A_358 {strides = array<i32>} : memref<2x40x128xf32, #tpu.memory_space<vmem>>, vector<1x1x16xf32>,
        %get3A_359 = arith.constant 0 : i32
        %get3A_360 = arith.index_cast %get3A_359 : i32 to index
        %get3A_361 = arith.index_cast %add3A_320 : i32 to index
        %get3A_362 = arith.constant 32 : index
        %get3A_363 = tpu.vector_load %arg11[%get3A_360, %get3A_361, %get3A_362] {strides = array<i32>} : memref<2x40x128xf32, #tpu.memory_space<vmem>>, vector<1x1x16xf32>,
        %get3A_364 = vector.shape_cast %get3A_363 : vector<1x1x16xf32> to vector<16xf32>
        %get3A_365 = arith.constant 0 : i32
        %get3A_366 = arith.index_cast %get3A_365 : i32 to index
        %get3A_367 = arith.index_cast %add3A_320 : i32 to index
        %get3A_368 = arith.constant 32 : index
        %get3A_369 = tpu.vector_load %arg12[%get3A_366, %get3A_367, %get3A_368] {strides = array<i32>} : memref<2x40x128xf32, #tpu.memory_space<vmem>>, vector<1x1x16xf32>,
        %get3A_370 = vector.shape_cast %get3A_369 : vector<1x1x16xf32> to vector<16xf32>
        %mul3A_371 = arith.mulf %get3A_364, %get3A_370 : vector<16xf32>
        %swap3A_372 = arith.constant 0 : i32
        %swap3A_373 = arith.index_cast %swap3A_372 : i32 to index
        %swap3A_374 = arith.index_cast %add3A_320 : i32 to index
        %swap3A_375 = arith.constant 32 : index
        %swap3A_376 = tpu.vector_load %arg11[%swap3A_373, %swap3A_374, %swap3A_375] {strides = array<i32>} : memref<2x40x128xf32, #tpu.memory_space<vmem>>, vector<1x1x16xf32>,
        %swap3A_377 = vector.shape_cast %swap3A_376 : vector<1x1x16xf32> to vector<16xf32>
        %swap3A_378 = vector.shape_cast %mul3A_371 : vector<16xf32> to vector<1x1x16xf32>
        tpu.vector_store %arg11[%swap3A_373, %swap3A_374, %swap3A_375], %swap3A_378 {strides = array<i32>} : memref<2x40x128xf32, #tpu.memory_space<vmem>>, vector<1x1x16xf32>,
        %get3A_379 = arith.constant 0 : i32
        %get3A_380 = arith.index_cast %get3A_379 : i32 to index
        %get3A_381 = arith.index_cast %add3A_320 : i32 to index
        %get3A_382 = arith.constant 48 : index
        %get3A_383 = tpu.vector_load %arg11[%get3A_380, %get3A_381, %get3A_382] {strides = array<i32>} : memref<2x40x128xf32, #tpu.memory_space<vmem>>, vector<1x1x16xf32>,
        %get3A_384 = vector.shape_cast %get3A_383 : vector<1x1x16xf32> to vector<16xf32>
        %get3A_385 = arith.constant 0 : i32
        %get3A_386 = arith.index_cast %get3A_385 : i32 to index
        %get3A_387 = arith.index_cast %add3A_320 : i32 to index
        %get3A_388 = arith.constant 48 : index
        %get3A_389 = tpu.vector_load %arg12[%get3A_386, %get3A_387, %get3A_388] {strides = array<i32>} : memref<2x40x128xf32, #tpu.memory_space<vmem>>, vector<1x1x16xf32>,
        %get3A_390 = vector.shape_cast %get3A_389 : vector<1x1x16xf32> to vector<16xf32>
        %mul3A_391 = arith.mulf %get3A_384, %get3A_390 : vector<16xf32>
        %swap3A_392 = arith.constant 0 : i32
        %swap3A_393 = arith.index_cast %swap3A_392 : i32 to index
        %swap3A_394 = arith.index_cast %add3A_320 : i32 to index
        %swap3A_395 = arith.constant 48 : index
        %swap3A_396 = tpu.vector_load %arg11[%swap3A_393, %swap3A_394, %swap3A_395] {strides = array<i32>} : memref<2x40x128xf32, #tpu.memory_space<vmem>>, vector<1x1x16xf32>,
        %swap3A_397 = vector.shape_cast %swap3A_396 : vector<1x1x16xf32> to vector<16xf32>
        %swap3A_398 = vector.shape_cast %mul3A_391 : vector<16xf32> to vector<1x1x16xf32>
        tpu.vector_store %arg11[%swap3A_393, %swap3A_394, %swap3A_395], %swap3A_398 {strides = array<i32>} : memref<2x40x128xf32, #tpu.memory_space<vmem>>, vector<1x1x16xf32>,
        %get3A_399 = arith.constant 0 : i32
        %get3A_400 = arith.index_cast %get3A_399 : i32 to index
        %get3A_401 = arith.index_cast %add3A_320 : i32 to index
        %get3A_402 = arith.constant 64 : index
        %get3A_403 = tpu.vector_load %arg11[%get3A_400, %get3A_401, %get3A_402] {strides = array<i32>} : memref<2x40x128xf32, #tpu.memory_space<vmem>>, vector<1x1x16xf32>,
        %get3A_404 = vector.shape_cast %get3A_403 : vector<1x1x16xf32> to vector<16xf32>
        %get3A_405 = arith.constant 0 : i32
        %get3A_406 = arith.index_cast %get3A_405 : i32 to index
        %get3A_407 = arith.index_cast %add3A_320 : i32 to index
        %get3A_408 = arith.constant 64 : index
        %get3A_409 = tpu.vector_load %arg12[%get3A_406, %get3A_407, %get3A_408] {strides = array<i32>} : memref<2x40x128xf32, #tpu.memory_space<vmem>>, vector<1x1x16xf32>,
        %get3A_410 = vector.shape_cast %get3A_409 : vector<1x1x16xf32> to vector<16xf32>
        %mul3A_411 = arith.mulf %get3A_404, %get3A_410 : vector<16xf32>
        %swap3A_412 = arith.constant 0 : i32
        %swap3A_413 = arith.index_cast %swap3A_412 : i32 to index
        %swap3A_414 = arith.index_cast %add3A_320 : i32 to index
        %swap3A_415 = arith.constant 64 : index
        %swap3A_416 = tpu.vector_load %arg11[%swap3A_413, %swap3A_414, %swap3A_415] {strides = array<i32>} : memref<2x40x128xf32, #tpu.memory_space<vmem>>, vector<1x1x16xf32>,
        %swap3A_417 = vector.shape_cast %swap3A_416 : vector<1x1x16xf32> to vector<16xf32>
        %swap3A_418 = vector.shape_cast %mul3A_411 : vector<16xf32> to vector<1x1x16xf32>
        tpu.vector_store %arg11[%swap3A_413, %swap3A_414, %swap3A_415], %swap3A_418 {strides = array<i32>} : memref<2x40x128xf32, #tpu.memory_space<vmem>>, vector<1x1x16xf32>,
        %get3A_419 = arith.constant 0 : i32
        %get3A_420 = arith.index_cast %get3A_419 : i32 to index
        %get3A_421 = arith.index_cast %add3A_320 : i32 to index
        %get3A_422 = arith.constant 80 : index
        %get3A_423 = tpu.vector_load %arg11[%get3A_420, %get3A_421, %get3A_422] {strides = array<i32>} : memref<2x40x128xf32, #tpu.memory_space<vmem>>, vector<1x1x16xf32>,
        %get3A_424 = vector.shape_cast %get3A_423 : vector<1x1x16xf32> to vector<16xf32>
        %get3A_425 = arith.constant 0 : i32
        %get3A_426 = arith.index_cast %get3A_425 : i32 to index
        %get3A_427 = arith.index_cast %add3A_320 : i32 to index
        %get3A_428 = arith.constant 80 : index
        %get3A_429 = tpu.vector_load %arg12[%get3A_426, %get3A_427, %get3A_428] {strides = array<i32>} : memref<2x40x128xf32, #tpu.memory_space<vmem>>, vector<1x1x16xf32>,
        %get3A_430 = vector.shape_cast %get3A_429 : vector<1x1x16xf32> to vector<16xf32>
        %mul3A_431 = arith.mulf %get3A_424, %get3A_430 : vector<16xf32>
        %swap3A_432 = arith.constant 0 : i32
        %swap3A_433 = arith.index_cast %swap3A_432 : i32 to index
        %swap3A_434 = arith.index_cast %add3A_320 : i32 to index
        %swap3A_435 = arith.constant 80 : index
        %swap3A_436 = tpu.vector_load %arg11[%swap3A_433, %swap3A_434, %swap3A_435] {strides = array<i32>} : memref<2x40x128xf32, #tpu.memory_space<vmem>>, vector<1x1x16xf32>,
        %swap3A_437 = vector.shape_cast %swap3A_436 : vector<1x1x16xf32> to vector<16xf32>
        %swap3A_438 = vector.shape_cast %mul3A_431 : vector<16xf32> to vector<1x1x16xf32>
        tpu.vector_store %arg11[%swap3A_433, %swap3A_434, %swap3A_435], %swap3A_438 {strides = array<i32>} : memref<2x40x128xf32, #tpu.memory_space<vmem>>, vector<1x1x16xf32>,
        %get3A_439 = arith.constant 0 : i32
        %get3A_440 = arith.index_cast %get3A_439 : i32 to index
        %get3A_441 = arith.index_cast %add3A_320 : i32 to index
        %get3A_442 = arith.constant 96 : index
        %get3A_443 = tpu.vector_load %arg11[%get3A_440, %get3A_441, %get3A_442] {strides = array<i32>} : memref<2x40x128xf32, #tpu.memory_space<vmem>>, vector<1x1x16xf32>,
        %get3A_444 = vector.shape_cast %get3A_443 : vector<1x1x16xf32> to vector<16xf32>
        %get3A_445 = arith.constant 0 : i32
        %get3A_446 = arith.index_cast %get3A_445 : i32 to index
        %get3A_447 = arith.index_cast %add3A_320 : i32 to index
        %get3A_448 = arith.constant 96 : index
        %get3A_449 = tpu.vector_load %arg12[%get3A_446, %get3A_447, %get3A_448] {strides = array<i32>} : memref<2x40x128xf32, #tpu.memory_space<vmem>>, vector<1x1x16xf32>,
        %get3A_450 = vector.shape_cast %get3A_449 : vector<1x1x16xf32> to vector<16xf32>
        %mul3A_451 = arith.mulf %get3A_444, %get3A_450 : vector<16xf32>
        %swap3A_452 = arith.constant 0 : i32
        %swap3A_453 = arith.index_cast %swap3A_452 : i32 to index
        %swap3A_454 = arith.index_cast %add3A_320 : i32 to index
        %swap3A_455 = arith.constant 96 : index
        %swap3A_456 = tpu.vector_load %arg11[%swap3A_453, %swap3A_454, %swap3A_455] {strides = array<i32>} : memref<2x40x128xf32, #tpu.memory_space<vmem>>, vector<1x1x16xf32>,
        %swap3A_457 = vector.shape_cast %swap3A_456 : vector<1x1x16xf32> to vector<16xf32>
        %swap3A_458 = vector.shape_cast %mul3A_451 : vector<16xf32> to vector<1x1x16xf32>
        tpu.vector_store %arg11[%swap3A_453, %swap3A_454, %swap3A_455], %swap3A_458 {strides = array<i32>} : memref<2x40x128xf32, #tpu.memory_space<vmem>>, vector<1x1x16xf32>,
        %get3A_459 = arith.constant 0 : i32
        %get3A_460 = arith.index_cast %get3A_459 : i32 to index
        %get3A_461 = arith.index_cast %add3A_320 : i32 to index
        %get3A_462 = arith.constant 112 : index
        %get3A_463 = tpu.vector_load %arg11[%get3A_460, %get3A_461, %get3A_462] {strides = array<i32>} : memref<2x40x128xf32, #tpu.memory_space<vmem>>, vector<1x1x16xf32>,
        %get3A_464 = vector.shape_cast %get3A_463 : vector<1x1x16xf32> to vector<16xf32>
        %get3A_465 = arith.constant 0 : i32
        %get3A_466 = arith.index_cast %get3A_465 : i32 to index
        %get3A_467 = arith.index_cast %add3A_320 : i32 to index
        %get3A_468 = arith.constant 112 : index
        %get3A_469 = tpu.vector_load %arg12[%get3A_466, %get3A_467, %get3A_468] {strides = array<i32>} : memref<2x40x128xf32, #tpu.memory_space<vmem>>, vector<1x1x16xf32>,
        %get3A_470 = vector.shape_cast %get3A_469 : vector<1x1x16xf32> to vector<16xf32>
        %mul3A_471 = arith.mulf %get3A_464, %get3A_470 : vector<16xf32>
        %swap3A_472 = arith.constant 0 : i32
        %swap3A_473 = arith.index_cast %swap3A_472 : i32 to index
        %swap3A_474 = arith.index_cast %add3A_320 : i32 to index
        %swap3A_475 = arith.constant 112 : index
        %swap3A_476 = tpu.vector_load %arg11[%swap3A_473, %swap3A_474, %swap3A_475] {strides = array<i32>} : memref<2x40x128xf32, #tpu.memory_space<vmem>>, vector<1x1x16xf32>,
        %swap3A_477 = vector.shape_cast %swap3A_476 : vector<1x1x16xf32> to vector<16xf32>
        %swap3A_478 = vector.shape_cast %mul3A_471 : vector<16xf32> to vector<1x1x16xf32>
        tpu.vector_store %arg11[%swap3A_473, %swap3A_474, %swap3A_475], %swap3A_478 {strides = array<i32>} : memref<2x40x128xf32, #tpu.memory_space<vmem>>, vector<1x1x16xf32>,
      }
      %scan3A_241 = arith.constant 40 : i32
      %dma_start3A_242 = arith.constant 0 : i32
      %dma_start3A_243 = arith.constant 0 : i32
      %dma_start3A_244 = arith.constant 0 : i32
      %dma_start3A_245 = arith.constant 0 : i32
      %dma_start3A_246 = arith.constant 0 : i32
      %dma_start3A_247 = tpu.memref_slice %arg11[%dma_start3A_242, %dma_start3A_245, %dma_start3A_246] : memref<2x40x128xf32, #tpu.memory_space<vmem>> -> memref<1x40x128xf32, #tpu.memory_space<vmem>>
      %dma_start3A_248 = tpu.memref_squeeze %dma_start3A_247 : memref<1x40x128xf32, #tpu.memory_space<vmem>> -> memref<40x128xf32, #tpu.memory_space<vmem>>
      %dma_start3A_249 = arith.constant 0 : i32
      %dma_start3A_250 = tpu.memref_slice %arg9[%rem3A_147, %dma_start3A_243, %dma_start3A_249] : memref<2x2x40xi32, #tpu.memory_space<vmem>> -> memref<1x1x40xi32, #tpu.memory_space<vmem>>
      %dma_start3A_251 = tpu.memref_squeeze %dma_start3A_250 : memref<1x1x40xi32, #tpu.memory_space<vmem>> -> memref<40xi32, #tpu.memory_space<vmem>>
      %dma_start3A_252 = arith.constant 0 : i32
      %dma_start3A_253 = arith.constant 0 : i32
      %dma_start3A_254 = tpu.memref_slice %arg16[%dma_start3A_252, %dma_start3A_253] : memref<10000x128xf32, #tpu.memory_space<vmem_shared>> -> memref<10000x128xf32, #tpu.memory_space<vmem_shared>>
      %dma_start3A_255 = tpu.memref_slice %arg21[%dma_start3A_244] : memref<2x!tpu.dma_semaphore, #tpu.memory_space<semaphore_mem>> -> memref<1x!tpu.dma_semaphore, #tpu.memory_space<semaphore_mem>>
      %dma_start3A_256 = tpu.memref_squeeze %dma_start3A_255 : memref<1x!tpu.dma_semaphore, #tpu.memory_space<semaphore_mem>> -> memref<!tpu.dma_semaphore, #tpu.memory_space<semaphore_mem>>
      tpu.enqueue_indirect_dma source(%dma_start3A_248 : memref<40x128xf32, #tpu.memory_space<vmem>>) target(%dma_start3A_254 : memref<10000x128xf32, #tpu.memory_space<vmem_shared>>) offsets(%dma_start3A_251 : memref<40xi32, #tpu.memory_space<vmem>>) semaphore(%dma_start3A_256 : memref<!tpu.dma_semaphore, #tpu.memory_space<semaphore_mem>>) {add = true}
      %add3A_257 = arith.constant 1 : i32
      %add3A_258 = arith.addi %add3A_146, %add3A_257 : i32
      %lt3A_259 = arith.constant 125 : i32
      %lt3A_260 = arith.cmpi slt, %add3A_258, %lt3A_259 : i32
      %convert_element_type3A_261 = arith.extui %lt3A_260 : i1 to i32
      %cond3A_262 = arith.constant 0 : i32
      %cond3A_263 = arith.cmpi ne, %convert_element_type3A_261, %cond3A_262 : i32
      scf.if %cond3A_263 {
        %dma_wait3A_316 = arith.constant 0 : i32
        %dma_wait3A_317 = arith.constant 0 : i32
        %dma_wait3A_318 = arith.constant 0 : i32
        %dma_wait3A_319 = arith.constant 0 : i32
        %dma_wait3A_320 = arith.constant 0 : i32
        %dma_wait3A_321 = arith.constant 0 : i32
        %dma_wait3A_322 = tpu.memref_slice %arg11[%dma_wait3A_316, %dma_wait3A_320, %dma_wait3A_321] : memref<2x40x128xf32, #tpu.memory_space<vmem>> -> memref<1x40x128xf32, #tpu.memory_space<vmem>>
        %dma_wait3A_323 = tpu.memref_squeeze %dma_wait3A_322 : memref<1x40x128xf32, #tpu.memory_space<vmem>> -> memref<40x128xf32, #tpu.memory_space<vmem>>
        %dma_wait3A_324 = arith.constant 0 : i32
        %dma_wait3A_325 = tpu.memref_slice %arg9[%dma_wait3A_317, %dma_wait3A_318, %dma_wait3A_324] : memref<2x2x40xi32, #tpu.memory_space<vmem>> -> memref<1x1x40xi32, #tpu.memory_space<vmem>>
        %dma_wait3A_326 = tpu.memref_squeeze %dma_wait3A_325 : memref<1x1x40xi32, #tpu.memory_space<vmem>> -> memref<40xi32, #tpu.memory_space<vmem>>
        %dma_wait3A_327 = arith.constant 0 : i32
        %dma_wait3A_328 = arith.constant 0 : i32
        %dma_wait3A_329 = tpu.memref_slice %arg16[%dma_wait3A_327, %dma_wait3A_328] : memref<10000x128xf32, #tpu.memory_space<vmem_shared>> -> memref<10000x128xf32, #tpu.memory_space<vmem_shared>>
        %dma_wait3A_330 = tpu.memref_slice %arg21[%dma_wait3A_319] : memref<2x!tpu.dma_semaphore, #tpu.memory_space<semaphore_mem>> -> memref<1x!tpu.dma_semaphore, #tpu.memory_space<semaphore_mem>>
        %dma_wait3A_331 = tpu.memref_squeeze %dma_wait3A_330 : memref<1x!tpu.dma_semaphore, #tpu.memory_space<semaphore_mem>> -> memref<!tpu.dma_semaphore, #tpu.memory_space<semaphore_mem>>
        tpu.wait_indirect_dma semaphore(%dma_wait3A_331 : memref<!tpu.dma_semaphore, #tpu.memory_space<semaphore_mem>>) src(%dma_wait3A_323 : memref<40x128xf32, #tpu.memory_space<vmem>>) dst(%dma_wait3A_329 : memref<10000x128xf32, #tpu.memory_space<vmem_shared>>)
        %add3A_332 = arith.constant 1 : i32
        %add3A_333 = arith.addi %add3A_146, %add3A_332 : i32
        %rem3A_334 = arith.constant 2 : i32
        %rem3A_335 = arith.remsi %add3A_333, %rem3A_334 : i32
        %dma_wait3A_336 = arith.constant 0 : i32
        %dma_wait3A_337 = arith.constant 0 : i32
        %dma_wait3A_338 = tpu.memref_slice %arg8[%rem3A_335, %dma_wait3A_336, %dma_wait3A_337] : memref<2x2x40xi32, #tpu.memory_space<vmem>> -> memref<1x2x40xi32, #tpu.memory_space<vmem>>
        %dma_wait3A_339 = tpu.memref_squeeze %dma_wait3A_338 : memref<1x2x40xi32, #tpu.memory_space<vmem>> -> memref<2x40xi32, #tpu.memory_space<vmem>>
        %dma_wait3A_340 = arith.constant 0 : i32
        %dma_wait3A_341 = tpu.memref_slice %arg4[%mul3A_6, %dma_wait3A_340] : memref<8000x40xi32, #tpu.memory_space<hbm>> -> memref<2x40xi32, #tpu.memory_space<hbm>>
        %dma_wait3A_342 = tpu.memref_slice %arg18[%rem3A_335] : memref<2x!tpu.dma_semaphore, #tpu.memory_space<semaphore_mem>> -> memref<1x!tpu.dma_semaphore, #tpu.memory_space<semaphore_mem>>
        %dma_wait3A_343 = tpu.memref_squeeze %dma_wait3A_342 : memref<1x!tpu.dma_semaphore, #tpu.memory_space<semaphore_mem>> -> memref<!tpu.dma_semaphore, #tpu.memory_space<semaphore_mem>>
        %dma_wait3A_344 = arith.constant 0 : i32
        %dma_wait3A_345 = arith.constant 0 : i32
        %dma_wait3A_346 = tpu.memref_slice %arg8[%rem3A_335, %dma_wait3A_344, %dma_wait3A_345] : memref<2x2x40xi32, #tpu.memory_space<vmem>> -> memref<1x2x40xi32, #tpu.memory_space<vmem>>
        %dma_wait3A_347 = tpu.memref_squeeze %dma_wait3A_346 : memref<1x2x40xi32, #tpu.memory_space<vmem>> -> memref<2x40xi32, #tpu.memory_space<vmem>>
        %dma_wait3A_348 = arith.constant 0 : i32
        %dma_wait3A_349 = tpu.memref_slice %arg4[%mul3A_6, %dma_wait3A_348] : memref<8000x40xi32, #tpu.memory_space<hbm>> -> memref<2x40xi32, #tpu.memory_space<hbm>>
        tpu.wait_dma2 semaphore(%dma_wait3A_343 : memref<!tpu.dma_semaphore, #tpu.memory_space<semaphore_mem>>) src(%dma_wait3A_349 : memref<2x40xi32, #tpu.memory_space<hbm>>) dst(%dma_wait3A_347 : memref<2x40xi32, #tpu.memory_space<vmem>>)
        %dma_wait3A_350 = arith.constant 0 : i32
        %dma_wait3A_351 = arith.constant 0 : i32
        %dma_wait3A_352 = tpu.memref_slice %arg9[%rem3A_335, %dma_wait3A_350, %dma_wait3A_351] : memref<2x2x40xi32, #tpu.memory_space<vmem>> -> memref<1x2x40xi32, #tpu.memory_space<vmem>>
        %dma_wait3A_353 = tpu.memref_squeeze %dma_wait3A_352 : memref<1x2x40xi32, #tpu.memory_space<vmem>> -> memref<2x40xi32, #tpu.memory_space<vmem>>
        %dma_wait3A_354 = arith.constant 0 : i32
        %dma_wait3A_355 = tpu.memref_slice %arg5[%mul3A_6, %dma_wait3A_354] : memref<8000x40xi32, #tpu.memory_space<hbm>> -> memref<2x40xi32, #tpu.memory_space<hbm>>
        %dma_wait3A_356 = tpu.memref_slice %arg18[%rem3A_335] : memref<2x!tpu.dma_semaphore, #tpu.memory_space<semaphore_mem>> -> memref<1x!tpu.dma_semaphore, #tpu.memory_space<semaphore_mem>>
        %dma_wait3A_357 = tpu.memref_squeeze %dma_wait3A_356 : memref<1x!tpu.dma_semaphore, #tpu.memory_space<semaphore_mem>> -> memref<!tpu.dma_semaphore, #tpu.memory_space<semaphore_mem>>
        %dma_wait3A_358 = arith.constant 0 : i32
        %dma_wait3A_359 = arith.constant 0 : i32
        %dma_wait3A_360 = tpu.memref_slice %arg9[%rem3A_335, %dma_wait3A_358, %dma_wait3A_359] : memref<2x2x40xi32, #tpu.memory_space<vmem>> -> memref<1x2x40xi32, #tpu.memory_space<vmem>>
        %dma_wait3A_361 = tpu.memref_squeeze %dma_wait3A_360 : memref<1x2x40xi32, #tpu.memory_space<vmem>> -> memref<2x40xi32, #tpu.memory_space<vmem>>
        %dma_wait3A_362 = arith.constant 0 : i32
        %dma_wait3A_363 = tpu.memref_slice %arg5[%mul3A_6, %dma_wait3A_362] : memref<8000x40xi32, #tpu.memory_space<hbm>> -> memref<2x40xi32, #tpu.memory_space<hbm>>
        tpu.wait_dma2 semaphore(%dma_wait3A_357 : memref<!tpu.dma_semaphore, #tpu.memory_space<semaphore_mem>>) src(%dma_wait3A_363 : memref<2x40xi32, #tpu.memory_space<hbm>>) dst(%dma_wait3A_361 : memref<2x40xi32, #tpu.memory_space<vmem>>)
        %dma_wait3A_364 = arith.constant 0 : i32
        %dma_wait3A_365 = tpu.memref_slice %arg10[%rem3A_335, %dma_wait3A_364] : memref<2x80xi32, #tpu.memory_space<vmem>> -> memref<1x80xi32, #tpu.memory_space<vmem>>
        %dma_wait3A_366 = tpu.memref_squeeze %dma_wait3A_365 : memref<1x80xi32, #tpu.memory_space<vmem>> -> memref<80xi32, #tpu.memory_space<vmem>>
        %dma_wait3A_367 = tpu.memref_slice %arg6[%add3A_16] : memref<320000xi32, #tpu.memory_space<hbm>> -> memref<80xi32, #tpu.memory_space<hbm>>
        %dma_wait3A_368 = tpu.memref_slice %arg18[%rem3A_335] : memref<2x!tpu.dma_semaphore, #tpu.memory_space<semaphore_mem>> -> memref<1x!tpu.dma_semaphore, #tpu.memory_space<semaphore_mem>>
        %dma_wait3A_369 = tpu.memref_squeeze %dma_wait3A_368 : memref<1x!tpu.dma_semaphore, #tpu.memory_space<semaphore_mem>> -> memref<!tpu.dma_semaphore, #tpu.memory_space<semaphore_mem>>
        %dma_wait3A_370 = arith.constant 0 : i32
        %dma_wait3A_371 = tpu.memref_slice %arg10[%rem3A_335, %dma_wait3A_370] : memref<2x80xi32, #tpu.memory_space<vmem>> -> memref<1x80xi32, #tpu.memory_space<vmem>>
        %dma_wait3A_372 = tpu.memref_squeeze %dma_wait3A_371 : memref<1x80xi32, #tpu.memory_space<vmem>> -> memref<80xi32, #tpu.memory_space<vmem>>
        %dma_wait3A_373 = tpu.memref_slice %arg6[%add3A_16] : memref<320000xi32, #tpu.memory_space<hbm>> -> memref<80xi32, #tpu.memory_space<hbm>>
        tpu.wait_dma2 semaphore(%dma_wait3A_369 : memref<!tpu.dma_semaphore, #tpu.memory_space<semaphore_mem>>) src(%dma_wait3A_373 : memref<80xi32, #tpu.memory_space<hbm>>) dst(%dma_wait3A_372 : memref<80xi32, #tpu.memory_space<vmem>>)
        %add3A_374 = arith.constant 1 : i32
        %add3A_375 = arith.addi %add3A_146, %add3A_374 : i32
        %mul3A_376 = arith.constant 2 : i32
        %mul3A_377 = arith.muli %mul3A_376, %add3A_375 : i32
        %rem3A_378 = arith.constant 2 : i32
        %rem3A_379 = arith.remsi %add3A_146, %rem3A_378 : i32
        %sub3A_380 = arith.constant 1 : i32
        %sub3A_381 = arith.subi %sub3A_380, %rem3A_379 : i32
        %dma_start3A_382 = arith.constant 0 : i32
        %dma_start3A_383 = arith.constant 0 : i32
        %dma_start3A_384 = arith.constant 0 : i32
        %dma_start3A_385 = arith.constant 0 : i32
        %dma_start3A_386 = arith.constant 0 : i32
        %dma_start3A_387 = tpu.memref_slice %arg11[%dma_start3A_383, %dma_start3A_385, %dma_start3A_386] : memref<2x40x128xf32, #tpu.memory_space<vmem>> -> memref<1x40x128xf32, #tpu.memory_space<vmem>>
        %dma_start3A_388 = tpu.memref_squeeze %dma_start3A_387 : memref<1x40x128xf32, #tpu.memory_space<vmem>> -> memref<40x128xf32, #tpu.memory_space<vmem>>
        %dma_start3A_389 = arith.constant 0 : i32
        %dma_start3A_390 = tpu.memref_slice %arg8[%sub3A_381, %dma_start3A_382, %dma_start3A_389] : memref<2x2x40xi32, #tpu.memory_space<vmem>> -> memref<1x1x40xi32, #tpu.memory_space<vmem>>
        %dma_start3A_391 = tpu.memref_squeeze %dma_start3A_390 : memref<1x1x40xi32, #tpu.memory_space<vmem>> -> memref<40xi32, #tpu.memory_space<vmem>>
        %dma_start3A_392 = arith.constant 0 : i32
        %dma_start3A_393 = arith.constant 0 : i32
        %dma_start3A_394 = tpu.memref_slice %arg2[%dma_start3A_392, %dma_start3A_393] : memref<20000x128xf32, #tpu.memory_space<hbm>> -> memref<20000x128xf32, #tpu.memory_space<hbm>>
        %dma_start3A_395 = tpu.memref_slice %arg19[%dma_start3A_384] : memref<2x!tpu.dma_semaphore, #tpu.memory_space<semaphore_mem>> -> memref<1x!tpu.dma_semaphore, #tpu.memory_space<semaphore_mem>>
        %dma_start3A_396 = tpu.memref_squeeze %dma_start3A_395 : memref<1x!tpu.dma_semaphore, #tpu.memory_space<semaphore_mem>> -> memref<!tpu.dma_semaphore, #tpu.memory_space<semaphore_mem>>
        tpu.enqueue_indirect_dma source(%dma_start3A_394 : memref<20000x128xf32, #tpu.memory_space<hbm>>) target(%dma_start3A_388 : memref<40x128xf32, #tpu.memory_space<vmem>>) offsets(%dma_start3A_391 : memref<40xi32, #tpu.memory_space<vmem>>) semaphore(%dma_start3A_396 : memref<!tpu.dma_semaphore, #tpu.memory_space<semaphore_mem>>)
        %mul3A_397 = arith.constant 40 : i32
        %mul3A_398 = arith.muli %mul3A_377, %mul3A_397 : i32
        %add3A_399 = arith.addi %add3A_11, %mul3A_398 : i32
        %dma_start3A_400 = arith.constant 0 : i32
        %dma_start3A_401 = arith.constant 0 : i32
        %dma_start3A_402 = arith.constant 0 : i32
        %dma_start3A_403 = arith.constant 0 : i32
        %dma_start3A_404 = tpu.memref_slice %arg12[%dma_start3A_400, %dma_start3A_402, %dma_start3A_403] : memref<2x40x128xf32, #tpu.memory_space<vmem>> -> memref<1x40x128xf32, #tpu.memory_space<vmem>>
        %dma_start3A_405 = tpu.memref_squeeze %dma_start3A_404 : memref<1x40x128xf32, #tpu.memory_space<vmem>> -> memref<40x128xf32, #tpu.memory_space<vmem>>
        %dma_start3A_406 = arith.constant 0 : i32
        %dma_start3A_407 = tpu.memref_slice %arg3[%add3A_399, %dma_start3A_406] : memref<320000x128xf32, #tpu.memory_space<hbm>> -> memref<40x128xf32, #tpu.memory_space<hbm>>
        %dma_start3A_408 = tpu.memref_slice %arg20[%dma_start3A_401] : memref<2x!tpu.dma_semaphore, #tpu.memory_space<semaphore_mem>> -> memref<1x!tpu.dma_semaphore, #tpu.memory_space<semaphore_mem>>
        %dma_start3A_409 = tpu.memref_squeeze %dma_start3A_408 : memref<1x!tpu.dma_semaphore, #tpu.memory_space<semaphore_mem>> -> memref<!tpu.dma_semaphore, #tpu.memory_space<semaphore_mem>>
        %dma_start3A_410 = arith.constant 0 : i32
        %dma_start3A_411 = arith.constant 0 : i32
        %dma_start3A_412 = tpu.memref_slice %arg12[%dma_start3A_400, %dma_start3A_410, %dma_start3A_411] : memref<2x40x128xf32, #tpu.memory_space<vmem>> -> memref<1x40x128xf32, #tpu.memory_space<vmem>>
        %dma_start3A_413 = tpu.memref_squeeze %dma_start3A_412 : memref<1x40x128xf32, #tpu.memory_space<vmem>> -> memref<40x128xf32, #tpu.memory_space<vmem>>
        %dma_start3A_414 = arith.constant 0 : i32
        %dma_start3A_415 = tpu.memref_slice %arg3[%add3A_399, %dma_start3A_414] : memref<320000x128xf32, #tpu.memory_space<hbm>> -> memref<40x128xf32, #tpu.memory_space<hbm>>
        tpu.enqueue_dma source(%dma_start3A_415 : memref<40x128xf32, #tpu.memory_space<hbm>>) target(%dma_start3A_413 : memref<40x128xf32, #tpu.memory_space<vmem>>) target_semaphore(%dma_start3A_409 : memref<!tpu.dma_semaphore, #tpu.memory_space<semaphore_mem>>)
      } else {
      }
      %dma_wait3A_264 = arith.constant 0 : i32
      %dma_wait3A_265 = arith.constant 0 : i32
      %dma_wait3A_266 = arith.constant 1 : i32
      %dma_wait3A_267 = arith.constant 1 : i32
      %dma_wait3A_268 = arith.constant 0 : i32
      %dma_wait3A_269 = arith.constant 0 : i32
      %dma_wait3A_270 = tpu.memref_slice %arg11[%dma_wait3A_266, %dma_wait3A_268, %dma_wait3A_269] : memref<2x40x128xf32, #tpu.memory_space<vmem>> -> memref<1x40x128xf32, #tpu.memory_space<vmem>>
      %dma_wait3A_271 = tpu.memref_squeeze %dma_wait3A_270 : memref<1x40x128xf32, #tpu.memory_space<vmem>> -> memref<40x128xf32, #tpu.memory_space<vmem>>
      %dma_wait3A_272 = arith.constant 0 : i32
      %dma_wait3A_273 = tpu.memref_slice %arg8[%dma_wait3A_264, %dma_wait3A_265, %dma_wait3A_272] : memref<2x2x40xi32, #tpu.memory_space<vmem>> -> memref<1x1x40xi32, #tpu.memory_space<vmem>>
      %dma_wait3A_274 = tpu.memref_squeeze %dma_wait3A_273 : memref<1x1x40xi32, #tpu.memory_space<vmem>> -> memref<40xi32, #tpu.memory_space<vmem>>
      %dma_wait3A_275 = arith.constant 0 : i32
      %dma_wait3A_276 = arith.constant 0 : i32
      %dma_wait3A_277 = tpu.memref_slice %arg2[%dma_wait3A_275, %dma_wait3A_276] : memref<20000x128xf32, #tpu.memory_space<hbm>> -> memref<20000x128xf32, #tpu.memory_space<hbm>>
      %dma_wait3A_278 = tpu.memref_slice %arg19[%dma_wait3A_267] : memref<2x!tpu.dma_semaphore, #tpu.memory_space<semaphore_mem>> -> memref<1x!tpu.dma_semaphore, #tpu.memory_space<semaphore_mem>>
      %dma_wait3A_279 = tpu.memref_squeeze %dma_wait3A_278 : memref<1x!tpu.dma_semaphore, #tpu.memory_space<semaphore_mem>> -> memref<!tpu.dma_semaphore, #tpu.memory_space<semaphore_mem>>
      tpu.wait_indirect_dma semaphore(%dma_wait3A_279 : memref<!tpu.dma_semaphore, #tpu.memory_space<semaphore_mem>>) src(%dma_wait3A_277 : memref<20000x128xf32, #tpu.memory_space<hbm>>) dst(%dma_wait3A_271 : memref<40x128xf32, #tpu.memory_space<vmem>>)
      %dma_wait3A_280 = arith.constant 1 : i32
      %dma_wait3A_281 = arith.constant 1 : i32
      %dma_wait3A_282 = arith.constant 0 : i32
      %dma_wait3A_283 = arith.constant 0 : i32
      %dma_wait3A_284 = tpu.memref_slice %arg12[%dma_wait3A_280, %dma_wait3A_282, %dma_wait3A_283] : memref<2x40x128xf32, #tpu.memory_space<vmem>> -> memref<1x40x128xf32, #tpu.memory_space<vmem>>
      %dma_wait3A_285 = tpu.memref_squeeze %dma_wait3A_284 : memref<1x40x128xf32, #tpu.memory_space<vmem>> -> memref<40x128xf32, #tpu.memory_space<vmem>>
      %dma_wait3A_286 = arith.constant 0 : i32
      %dma_wait3A_287 = tpu.memref_slice %arg3[%add3A_11, %dma_wait3A_286] : memref<320000x128xf32, #tpu.memory_space<hbm>> -> memref<40x128xf32, #tpu.memory_space<hbm>>
      %dma_wait3A_288 = tpu.memref_slice %arg20[%dma_wait3A_281] : memref<2x!tpu.dma_semaphore, #tpu.memory_space<semaphore_mem>> -> memref<1x!tpu.dma_semaphore, #tpu.memory_space<semaphore_mem>>
      %dma_wait3A_289 = tpu.memref_squeeze %dma_wait3A_288 : memref<1x!tpu.dma_semaphore, #tpu.memory_space<semaphore_mem>> -> memref<!tpu.dma_semaphore, #tpu.memory_space<semaphore_mem>>
      %dma_wait3A_290 = arith.constant 0 : i32
      %dma_wait3A_291 = arith.constant 0 : i32
      %dma_wait3A_292 = tpu.memref_slice %arg12[%dma_wait3A_280, %dma_wait3A_290, %dma_wait3A_291] : memref<2x40x128xf32, #tpu.memory_space<vmem>> -> memref<1x40x128xf32, #tpu.memory_space<vmem>>
      %dma_wait3A_293 = tpu.memref_squeeze %dma_wait3A_292 : memref<1x40x128xf32, #tpu.memory_space<vmem>> -> memref<40x128xf32, #tpu.memory_space<vmem>>
      %dma_wait3A_294 = arith.constant 0 : i32
      %dma_wait3A_295 = tpu.memref_slice %arg3[%add3A_11, %dma_wait3A_294] : memref<320000x128xf32, #tpu.memory_space<hbm>> -> memref<40x128xf32, #tpu.memory_space<hbm>>
      tpu.wait_dma2 semaphore(%dma_wait3A_289 : memref<!tpu.dma_semaphore, #tpu.memory_space<semaphore_mem>>) src(%dma_wait3A_295 : memref<40x128xf32, #tpu.memory_space<hbm>>) dst(%dma_wait3A_293 : memref<40x128xf32, #tpu.memory_space<vmem>>)
      %scan3A_296 = arith.constant 0 : i32
      %scan3A_297 = arith.constant 40 : i32
      %scan3A_298 = arith.addi %scan3A_296, %scan3A_297 : i32
      %scan3A_299 = arith.constant 1 : i32
      scf.for %scan3A_316 = %scan3A_296 to %scan3A_298 step %scan3A_299  : i32 {
        %mul3A_317 = arith.constant 1 : i32
        %mul3A_318 = arith.muli %scan3A_316, %mul3A_317 : i32
        %add3A_319 = arith.constant 0 : i32
        %add3A_320 = arith.addi %add3A_319, %mul3A_318 : i32
        %get3A = arith.constant 1 : i32
        %get3A_321 = arith.index_cast %get3A : i32 to index
        %get3A_322 = arith.index_cast %add3A_320 : i32 to index
        %get3A_323 = arith.constant 0 : index
        %get3A_324 = tpu.vector_load %arg11[%get3A_321, %get3A_322, %get3A_323] {strides = array<i32>} : memref<2x40x128xf32, #tpu.memory_space<vmem>>, vector<1x1x16xf32>,
        %get3A_325 = vector.shape_cast %get3A_324 : vector<1x1x16xf32> to vector<16xf32>
        %get3A_326 = arith.constant 1 : i32
        %get3A_327 = arith.index_cast %get3A_326 : i32 to index
        %get3A_328 = arith.index_cast %add3A_320 : i32 to index
        %get3A_329 = arith.constant 0 : index
        %get3A_330 = tpu.vector_load %arg12[%get3A_327, %get3A_328, %get3A_329] {strides = array<i32>} : memref<2x40x128xf32, #tpu.memory_space<vmem>>, vector<1x1x16xf32>,
        %get3A_331 = vector.shape_cast %get3A_330 : vector<1x1x16xf32> to vector<16xf32>
        %mul3A_332 = arith.mulf %get3A_325, %get3A_331 : vector<16xf32>
        %swap3A = arith.constant 1 : i32
        %swap3A_333 = arith.index_cast %swap3A : i32 to index
        %swap3A_334 = arith.index_cast %add3A_320 : i32 to index
        %swap3A_335 = arith.constant 0 : index
        %swap3A_336 = tpu.vector_load %arg11[%swap3A_333, %swap3A_334, %swap3A_335] {strides = array<i32>} : memref<2x40x128xf32, #tpu.memory_space<vmem>>, vector<1x1x16xf32>,
        %swap3A_337 = vector.shape_cast %swap3A_336 : vector<1x1x16xf32> to vector<16xf32>
        %swap3A_338 = vector.shape_cast %mul3A_332 : vector<16xf32> to vector<1x1x16xf32>
        tpu.vector_store %arg11[%swap3A_333, %swap3A_334, %swap3A_335], %swap3A_338 {strides = array<i32>} : memref<2x40x128xf32, #tpu.memory_space<vmem>>, vector<1x1x16xf32>,
        %get3A_339 = arith.constant 1 : i32
        %get3A_340 = arith.index_cast %get3A_339 : i32 to index
        %get3A_341 = arith.index_cast %add3A_320 : i32 to index
        %get3A_342 = arith.constant 16 : index
        %get3A_343 = tpu.vector_load %arg11[%get3A_340, %get3A_341, %get3A_342] {strides = array<i32>} : memref<2x40x128xf32, #tpu.memory_space<vmem>>, vector<1x1x16xf32>,
        %get3A_344 = vector.shape_cast %get3A_343 : vector<1x1x16xf32> to vector<16xf32>
        %get3A_345 = arith.constant 1 : i32
        %get3A_346 = arith.index_cast %get3A_345 : i32 to index
        %get3A_347 = arith.index_cast %add3A_320 : i32 to index
        %get3A_348 = arith.constant 16 : index
        %get3A_349 = tpu.vector_load %arg12[%get3A_346, %get3A_347, %get3A_348] {strides = array<i32>} : memref<2x40x128xf32, #tpu.memory_space<vmem>>, vector<1x1x16xf32>,
        %get3A_350 = vector.shape_cast %get3A_349 : vector<1x1x16xf32> to vector<16xf32>
        %mul3A_351 = arith.mulf %get3A_344, %get3A_350 : vector<16xf32>
        %swap3A_352 = arith.constant 1 : i32
        %swap3A_353 = arith.index_cast %swap3A_352 : i32 to index
        %swap3A_354 = arith.index_cast %add3A_320 : i32 to index
        %swap3A_355 = arith.constant 16 : index
        %swap3A_356 = tpu.vector_load %arg11[%swap3A_353, %swap3A_354, %swap3A_355] {strides = array<i32>} : memref<2x40x128xf32, #tpu.memory_space<vmem>>, vector<1x1x16xf32>,
        %swap3A_357 = vector.shape_cast %swap3A_356 : vector<1x1x16xf32> to vector<16xf32>
        %swap3A_358 = vector.shape_cast %mul3A_351 : vector<16xf32> to vector<1x1x16xf32>
        tpu.vector_store %arg11[%swap3A_353, %swap3A_354, %swap3A_355], %swap3A_358 {strides = array<i32>} : memref<2x40x128xf32, #tpu.memory_space<vmem>>, vector<1x1x16xf32>,
        %get3A_359 = arith.constant 1 : i32
        %get3A_360 = arith.index_cast %get3A_359 : i32 to index
        %get3A_361 = arith.index_cast %add3A_320 : i32 to index
        %get3A_362 = arith.constant 32 : index
        %get3A_363 = tpu.vector_load %arg11[%get3A_360, %get3A_361, %get3A_362] {strides = array<i32>} : memref<2x40x128xf32, #tpu.memory_space<vmem>>, vector<1x1x16xf32>,
        %get3A_364 = vector.shape_cast %get3A_363 : vector<1x1x16xf32> to vector<16xf32>
        %get3A_365 = arith.constant 1 : i32
        %get3A_366 = arith.index_cast %get3A_365 : i32 to index
        %get3A_367 = arith.index_cast %add3A_320 : i32 to index
        %get3A_368 = arith.constant 32 : index
        %get3A_369 = tpu.vector_load %arg12[%get3A_366, %get3A_367, %get3A_368] {strides = array<i32>} : memref<2x40x128xf32, #tpu.memory_space<vmem>>, vector<1x1x16xf32>,
        %get3A_370 = vector.shape_cast %get3A_369 : vector<1x1x16xf32> to vector<16xf32>
        %mul3A_371 = arith.mulf %get3A_364, %get3A_370 : vector<16xf32>
        %swap3A_372 = arith.constant 1 : i32
        %swap3A_373 = arith.index_cast %swap3A_372 : i32 to index
        %swap3A_374 = arith.index_cast %add3A_320 : i32 to index
        %swap3A_375 = arith.constant 32 : index
        %swap3A_376 = tpu.vector_load %arg11[%swap3A_373, %swap3A_374, %swap3A_375] {strides = array<i32>} : memref<2x40x128xf32, #tpu.memory_space<vmem>>, vector<1x1x16xf32>,
        %swap3A_377 = vector.shape_cast %swap3A_376 : vector<1x1x16xf32> to vector<16xf32>
        %swap3A_378 = vector.shape_cast %mul3A_371 : vector<16xf32> to vector<1x1x16xf32>
        tpu.vector_store %arg11[%swap3A_373, %swap3A_374, %swap3A_375], %swap3A_378 {strides = array<i32>} : memref<2x40x128xf32, #tpu.memory_space<vmem>>, vector<1x1x16xf32>,
        %get3A_379 = arith.constant 1 : i32
        %get3A_380 = arith.index_cast %get3A_379 : i32 to index
        %get3A_381 = arith.index_cast %add3A_320 : i32 to index
        %get3A_382 = arith.constant 48 : index
        %get3A_383 = tpu.vector_load %arg11[%get3A_380, %get3A_381, %get3A_382] {strides = array<i32>} : memref<2x40x128xf32, #tpu.memory_space<vmem>>, vector<1x1x16xf32>,
        %get3A_384 = vector.shape_cast %get3A_383 : vector<1x1x16xf32> to vector<16xf32>
        %get3A_385 = arith.constant 1 : i32
        %get3A_386 = arith.index_cast %get3A_385 : i32 to index
        %get3A_387 = arith.index_cast %add3A_320 : i32 to index
        %get3A_388 = arith.constant 48 : index
        %get3A_389 = tpu.vector_load %arg12[%get3A_386, %get3A_387, %get3A_388] {strides = array<i32>} : memref<2x40x128xf32, #tpu.memory_space<vmem>>, vector<1x1x16xf32>,
        %get3A_390 = vector.shape_cast %get3A_389 : vector<1x1x16xf32> to vector<16xf32>
        %mul3A_391 = arith.mulf %get3A_384, %get3A_390 : vector<16xf32>
        %swap3A_392 = arith.constant 1 : i32
        %swap3A_393 = arith.index_cast %swap3A_392 : i32 to index
        %swap3A_394 = arith.index_cast %add3A_320 : i32 to index
        %swap3A_395 = arith.constant 48 : index
        %swap3A_396 = tpu.vector_load %arg11[%swap3A_393, %swap3A_394, %swap3A_395] {strides = array<i32>} : memref<2x40x128xf32, #tpu.memory_space<vmem>>, vector<1x1x16xf32>,
        %swap3A_397 = vector.shape_cast %swap3A_396 : vector<1x1x16xf32> to vector<16xf32>
        %swap3A_398 = vector.shape_cast %mul3A_391 : vector<16xf32> to vector<1x1x16xf32>
        tpu.vector_store %arg11[%swap3A_393, %swap3A_394, %swap3A_395], %swap3A_398 {strides = array<i32>} : memref<2x40x128xf32, #tpu.memory_space<vmem>>, vector<1x1x16xf32>,
        %get3A_399 = arith.constant 1 : i32
        %get3A_400 = arith.index_cast %get3A_399 : i32 to index
        %get3A_401 = arith.index_cast %add3A_320 : i32 to index
        %get3A_402 = arith.constant 64 : index
        %get3A_403 = tpu.vector_load %arg11[%get3A_400, %get3A_401, %get3A_402] {strides = array<i32>} : memref<2x40x128xf32, #tpu.memory_space<vmem>>, vector<1x1x16xf32>,
        %get3A_404 = vector.shape_cast %get3A_403 : vector<1x1x16xf32> to vector<16xf32>
        %get3A_405 = arith.constant 1 : i32
        %get3A_406 = arith.index_cast %get3A_405 : i32 to index
        %get3A_407 = arith.index_cast %add3A_320 : i32 to index
        %get3A_408 = arith.constant 64 : index
        %get3A_409 = tpu.vector_load %arg12[%get3A_406, %get3A_407, %get3A_408] {strides = array<i32>} : memref<2x40x128xf32, #tpu.memory_space<vmem>>, vector<1x1x16xf32>,
        %get3A_410 = vector.shape_cast %get3A_409 : vector<1x1x16xf32> to vector<16xf32>
        %mul3A_411 = arith.mulf %get3A_404, %get3A_410 : vector<16xf32>
        %swap3A_412 = arith.constant 1 : i32
        %swap3A_413 = arith.index_cast %swap3A_412 : i32 to index
        %swap3A_414 = arith.index_cast %add3A_320 : i32 to index
        %swap3A_415 = arith.constant 64 : index
        %swap3A_416 = tpu.vector_load %arg11[%swap3A_413, %swap3A_414, %swap3A_415] {strides = array<i32>} : memref<2x40x128xf32, #tpu.memory_space<vmem>>, vector<1x1x16xf32>,
        %swap3A_417 = vector.shape_cast %swap3A_416 : vector<1x1x16xf32> to vector<16xf32>
        %swap3A_418 = vector.shape_cast %mul3A_411 : vector<16xf32> to vector<1x1x16xf32>
        tpu.vector_store %arg11[%swap3A_413, %swap3A_414, %swap3A_415], %swap3A_418 {strides = array<i32>} : memref<2x40x128xf32, #tpu.memory_space<vmem>>, vector<1x1x16xf32>,
        %get3A_419 = arith.constant 1 : i32
        %get3A_420 = arith.index_cast %get3A_419 : i32 to index
        %get3A_421 = arith.index_cast %add3A_320 : i32 to index
        %get3A_422 = arith.constant 80 : index
        %get3A_423 = tpu.vector_load %arg11[%get3A_420, %get3A_421, %get3A_422] {strides = array<i32>} : memref<2x40x128xf32, #tpu.memory_space<vmem>>, vector<1x1x16xf32>,
        %get3A_424 = vector.shape_cast %get3A_423 : vector<1x1x16xf32> to vector<16xf32>
        %get3A_425 = arith.constant 1 : i32
        %get3A_426 = arith.index_cast %get3A_425 : i32 to index
        %get3A_427 = arith.index_cast %add3A_320 : i32 to index
        %get3A_428 = arith.constant 80 : index
        %get3A_429 = tpu.vector_load %arg12[%get3A_426, %get3A_427, %get3A_428] {strides = array<i32>} : memref<2x40x128xf32, #tpu.memory_space<vmem>>, vector<1x1x16xf32>,
        %get3A_430 = vector.shape_cast %get3A_429 : vector<1x1x16xf32> to vector<16xf32>
        %mul3A_431 = arith.mulf %get3A_424, %get3A_430 : vector<16xf32>
        %swap3A_432 = arith.constant 1 : i32
        %swap3A_433 = arith.index_cast %swap3A_432 : i32 to index
        %swap3A_434 = arith.index_cast %add3A_320 : i32 to index
        %swap3A_435 = arith.constant 80 : index
        %swap3A_436 = tpu.vector_load %arg11[%swap3A_433, %swap3A_434, %swap3A_435] {strides = array<i32>} : memref<2x40x128xf32, #tpu.memory_space<vmem>>, vector<1x1x16xf32>,
        %swap3A_437 = vector.shape_cast %swap3A_436 : vector<1x1x16xf32> to vector<16xf32>
        %swap3A_438 = vector.shape_cast %mul3A_431 : vector<16xf32> to vector<1x1x16xf32>
        tpu.vector_store %arg11[%swap3A_433, %swap3A_434, %swap3A_435], %swap3A_438 {strides = array<i32>} : memref<2x40x128xf32, #tpu.memory_space<vmem>>, vector<1x1x16xf32>,
        %get3A_439 = arith.constant 1 : i32
        %get3A_440 = arith.index_cast %get3A_439 : i32 to index
        %get3A_441 = arith.index_cast %add3A_320 : i32 to index
        %get3A_442 = arith.constant 96 : index
        %get3A_443 = tpu.vector_load %arg11[%get3A_440, %get3A_441, %get3A_442] {strides = array<i32>} : memref<2x40x128xf32, #tpu.memory_space<vmem>>, vector<1x1x16xf32>,
        %get3A_444 = vector.shape_cast %get3A_443 : vector<1x1x16xf32> to vector<16xf32>
        %get3A_445 = arith.constant 1 : i32
        %get3A_446 = arith.index_cast %get3A_445 : i32 to index
        %get3A_447 = arith.index_cast %add3A_320 : i32 to index
        %get3A_448 = arith.constant 96 : index
        %get3A_449 = tpu.vector_load %arg12[%get3A_446, %get3A_447, %get3A_448] {strides = array<i32>} : memref<2x40x128xf32, #tpu.memory_space<vmem>>, vector<1x1x16xf32>,
        %get3A_450 = vector.shape_cast %get3A_449 : vector<1x1x16xf32> to vector<16xf32>
        %mul3A_451 = arith.mulf %get3A_444, %get3A_450 : vector<16xf32>
        %swap3A_452 = arith.constant 1 : i32
        %swap3A_453 = arith.index_cast %swap3A_452 : i32 to index
        %swap3A_454 = arith.index_cast %add3A_320 : i32 to index
        %swap3A_455 = arith.constant 96 : index
        %swap3A_456 = tpu.vector_load %arg11[%swap3A_453, %swap3A_454, %swap3A_455] {strides = array<i32>} : memref<2x40x128xf32, #tpu.memory_space<vmem>>, vector<1x1x16xf32>,
        %swap3A_457 = vector.shape_cast %swap3A_456 : vector<1x1x16xf32> to vector<16xf32>
        %swap3A_458 = vector.shape_cast %mul3A_451 : vector<16xf32> to vector<1x1x16xf32>
        tpu.vector_store %arg11[%swap3A_453, %swap3A_454, %swap3A_455], %swap3A_458 {strides = array<i32>} : memref<2x40x128xf32, #tpu.memory_space<vmem>>, vector<1x1x16xf32>,
        %get3A_459 = arith.constant 1 : i32
        %get3A_460 = arith.index_cast %get3A_459 : i32 to index
        %get3A_461 = arith.index_cast %add3A_320 : i32 to index
        %get3A_462 = arith.constant 112 : index
        %get3A_463 = tpu.vector_load %arg11[%get3A_460, %get3A_461, %get3A_462] {strides = array<i32>} : memref<2x40x128xf32, #tpu.memory_space<vmem>>, vector<1x1x16xf32>,
        %get3A_464 = vector.shape_cast %get3A_463 : vector<1x1x16xf32> to vector<16xf32>
        %get3A_465 = arith.constant 1 : i32
        %get3A_466 = arith.index_cast %get3A_465 : i32 to index
        %get3A_467 = arith.index_cast %add3A_320 : i32 to index
        %get3A_468 = arith.constant 112 : index
        %get3A_469 = tpu.vector_load %arg12[%get3A_466, %get3A_467, %get3A_468] {strides = array<i32>} : memref<2x40x128xf32, #tpu.memory_space<vmem>>, vector<1x1x16xf32>,
        %get3A_470 = vector.shape_cast %get3A_469 : vector<1x1x16xf32> to vector<16xf32>
        %mul3A_471 = arith.mulf %get3A_464, %get3A_470 : vector<16xf32>
        %swap3A_472 = arith.constant 1 : i32
        %swap3A_473 = arith.index_cast %swap3A_472 : i32 to index
        %swap3A_474 = arith.index_cast %add3A_320 : i32 to index
        %swap3A_475 = arith.constant 112 : index
        %swap3A_476 = tpu.vector_load %arg11[%swap3A_473, %swap3A_474, %swap3A_475] {strides = array<i32>} : memref<2x40x128xf32, #tpu.memory_space<vmem>>, vector<1x1x16xf32>,
        %swap3A_477 = vector.shape_cast %swap3A_476 : vector<1x1x16xf32> to vector<16xf32>
        %swap3A_478 = vector.shape_cast %mul3A_471 : vector<16xf32> to vector<1x1x16xf32>
        tpu.vector_store %arg11[%swap3A_473, %swap3A_474, %swap3A_475], %swap3A_478 {strides = array<i32>} : memref<2x40x128xf32, #tpu.memory_space<vmem>>, vector<1x1x16xf32>,
      }
      %scan3A_300 = arith.constant 40 : i32
      %dma_start3A_301 = arith.constant 1 : i32
      %dma_start3A_302 = arith.constant 1 : i32
      %dma_start3A_303 = arith.constant 1 : i32
      %dma_start3A_304 = arith.constant 0 : i32
      %dma_start3A_305 = arith.constant 0 : i32
      %dma_start3A_306 = tpu.memref_slice %arg11[%dma_start3A_301, %dma_start3A_304, %dma_start3A_305] : memref<2x40x128xf32, #tpu.memory_space<vmem>> -> memref<1x40x128xf32, #tpu.memory_space<vmem>>
      %dma_start3A_307 = tpu.memref_squeeze %dma_start3A_306 : memref<1x40x128xf32, #tpu.memory_space<vmem>> -> memref<40x128xf32, #tpu.memory_space<vmem>>
      %dma_start3A_308 = arith.constant 0 : i32
      %dma_start3A_309 = tpu.memref_slice %arg9[%rem3A_147, %dma_start3A_302, %dma_start3A_308] : memref<2x2x40xi32, #tpu.memory_space<vmem>> -> memref<1x1x40xi32, #tpu.memory_space<vmem>>
      %dma_start3A_310 = tpu.memref_squeeze %dma_start3A_309 : memref<1x1x40xi32, #tpu.memory_space<vmem>> -> memref<40xi32, #tpu.memory_space<vmem>>
      %dma_start3A_311 = arith.constant 0 : i32
      %dma_start3A_312 = arith.constant 0 : i32
      %dma_start3A_313 = tpu.memref_slice %arg16[%dma_start3A_311, %dma_start3A_312] : memref<10000x128xf32, #tpu.memory_space<vmem_shared>> -> memref<10000x128xf32, #tpu.memory_space<vmem_shared>>
      %dma_start3A_314 = tpu.memref_slice %arg21[%dma_start3A_303] : memref<2x!tpu.dma_semaphore, #tpu.memory_space<semaphore_mem>> -> memref<1x!tpu.dma_semaphore, #tpu.memory_space<semaphore_mem>>
      %dma_start3A_315 = tpu.memref_squeeze %dma_start3A_314 : memref<1x!tpu.dma_semaphore, #tpu.memory_space<semaphore_mem>> -> memref<!tpu.dma_semaphore, #tpu.memory_space<semaphore_mem>>
      tpu.enqueue_indirect_dma source(%dma_start3A_307 : memref<40x128xf32, #tpu.memory_space<vmem>>) target(%dma_start3A_313 : memref<10000x128xf32, #tpu.memory_space<vmem_shared>>) offsets(%dma_start3A_310 : memref<40xi32, #tpu.memory_space<vmem>>) semaphore(%dma_start3A_315 : memref<!tpu.dma_semaphore, #tpu.memory_space<semaphore_mem>>) {add = true}
    }
    %scan3A_84 = arith.constant 125 : i32
    %dma_wait3A = arith.constant 0 : i32
    %dma_wait3A_85 = arith.constant 0 : i32
    %dma_wait3A_86 = arith.constant 0 : i32
    %dma_wait3A_87 = arith.constant 0 : i32
    %dma_wait3A_88 = arith.constant 0 : i32
    %dma_wait3A_89 = arith.constant 0 : i32
    %dma_wait3A_90 = tpu.memref_slice %arg11[%dma_wait3A, %dma_wait3A_88, %dma_wait3A_89] : memref<2x40x128xf32, #tpu.memory_space<vmem>> -> memref<1x40x128xf32, #tpu.memory_space<vmem>>
    %dma_wait3A_91 = tpu.memref_squeeze %dma_wait3A_90 : memref<1x40x128xf32, #tpu.memory_space<vmem>> -> memref<40x128xf32, #tpu.memory_space<vmem>>
    %dma_wait3A_92 = arith.constant 0 : i32
    %dma_wait3A_93 = tpu.memref_slice %arg9[%dma_wait3A_85, %dma_wait3A_86, %dma_wait3A_92] : memref<2x2x40xi32, #tpu.memory_space<vmem>> -> memref<1x1x40xi32, #tpu.memory_space<vmem>>
    %dma_wait3A_94 = tpu.memref_squeeze %dma_wait3A_93 : memref<1x1x40xi32, #tpu.memory_space<vmem>> -> memref<40xi32, #tpu.memory_space<vmem>>
    %dma_wait3A_95 = arith.constant 0 : i32
    %dma_wait3A_96 = arith.constant 0 : i32
    %dma_wait3A_97 = tpu.memref_slice %arg16[%dma_wait3A_95, %dma_wait3A_96] : memref<10000x128xf32, #tpu.memory_space<vmem_shared>> -> memref<10000x128xf32, #tpu.memory_space<vmem_shared>>
    %dma_wait3A_98 = tpu.memref_slice %arg21[%dma_wait3A_87] : memref<2x!tpu.dma_semaphore, #tpu.memory_space<semaphore_mem>> -> memref<1x!tpu.dma_semaphore, #tpu.memory_space<semaphore_mem>>
    %dma_wait3A_99 = tpu.memref_squeeze %dma_wait3A_98 : memref<1x!tpu.dma_semaphore, #tpu.memory_space<semaphore_mem>> -> memref<!tpu.dma_semaphore, #tpu.memory_space<semaphore_mem>>
    tpu.wait_indirect_dma semaphore(%dma_wait3A_99 : memref<!tpu.dma_semaphore, #tpu.memory_space<semaphore_mem>>) src(%dma_wait3A_91 : memref<40x128xf32, #tpu.memory_space<vmem>>) dst(%dma_wait3A_97 : memref<10000x128xf32, #tpu.memory_space<vmem_shared>>)
    %dma_wait3A_100 = arith.constant 1 : i32
    %dma_wait3A_101 = arith.constant 0 : i32
    %dma_wait3A_102 = arith.constant 0 : i32
    %dma_wait3A_103 = arith.constant 1 : i32
    %dma_wait3A_104 = arith.constant 0 : i32
    %dma_wait3A_105 = arith.constant 0 : i32
    %dma_wait3A_106 = tpu.memref_slice %arg11[%dma_wait3A_100, %dma_wait3A_104, %dma_wait3A_105] : memref<2x40x128xf32, #tpu.memory_space<vmem>> -> memref<1x40x128xf32, #tpu.memory_space<vmem>>
    %dma_wait3A_107 = tpu.memref_squeeze %dma_wait3A_106 : memref<1x40x128xf32, #tpu.memory_space<vmem>> -> memref<40x128xf32, #tpu.memory_space<vmem>>
    %dma_wait3A_108 = arith.constant 0 : i32
    %dma_wait3A_109 = tpu.memref_slice %arg9[%dma_wait3A_101, %dma_wait3A_102, %dma_wait3A_108] : memref<2x2x40xi32, #tpu.memory_space<vmem>> -> memref<1x1x40xi32, #tpu.memory_space<vmem>>
    %dma_wait3A_110 = tpu.memref_squeeze %dma_wait3A_109 : memref<1x1x40xi32, #tpu.memory_space<vmem>> -> memref<40xi32, #tpu.memory_space<vmem>>
    %dma_wait3A_111 = arith.constant 0 : i32
    %dma_wait3A_112 = arith.constant 0 : i32
    %dma_wait3A_113 = tpu.memref_slice %arg16[%dma_wait3A_111, %dma_wait3A_112] : memref<10000x128xf32, #tpu.memory_space<vmem_shared>> -> memref<10000x128xf32, #tpu.memory_space<vmem_shared>>
    %dma_wait3A_114 = tpu.memref_slice %arg21[%dma_wait3A_103] : memref<2x!tpu.dma_semaphore, #tpu.memory_space<semaphore_mem>> -> memref<1x!tpu.dma_semaphore, #tpu.memory_space<semaphore_mem>>
    %dma_wait3A_115 = tpu.memref_squeeze %dma_wait3A_114 : memref<1x!tpu.dma_semaphore, #tpu.memory_space<semaphore_mem>> -> memref<!tpu.dma_semaphore, #tpu.memory_space<semaphore_mem>>
    tpu.wait_indirect_dma semaphore(%dma_wait3A_115 : memref<!tpu.dma_semaphore, #tpu.memory_space<semaphore_mem>>) src(%dma_wait3A_107 : memref<40x128xf32, #tpu.memory_space<vmem>>) dst(%dma_wait3A_113 : memref<10000x128xf32, #tpu.memory_space<vmem_shared>>)
    %dma_wait3A_116 = arith.constant 0 : i32
    %dma_wait3A_117 = arith.constant 0 : i32
    %dma_wait3A_118 = tpu.memref_slice %arg10[%dma_wait3A_116, %dma_wait3A_117] : memref<2x80xi32, #tpu.memory_space<vmem>> -> memref<1x80xi32, #tpu.memory_space<vmem>>
    %dma_wait3A_119 = tpu.memref_squeeze %dma_wait3A_118 : memref<1x80xi32, #tpu.memory_space<vmem>> -> memref<80xi32, #tpu.memory_space<vmem>>
    %dma_wait3A_120 = arith.constant 0 : i32
    %dma_wait3A_121 = tpu.memref_slice %arg17[%dma_wait3A_120] : memref<10000xf32, #tpu.memory_space<vmem_shared>> -> memref<10000xf32, #tpu.memory_space<vmem_shared>>
    tpu.wait_indirect_dma semaphore(%arg22 : memref<!tpu.dma_semaphore, #tpu.memory_space<semaphore_mem>>) src(%arg15 : memref<80xf32, #tpu.memory_space<vmem>>) dst(%dma_wait3A_121 : memref<10000xf32, #tpu.memory_space<vmem_shared>>)
    %barrier3A_122 = arith.constant 0 : index
    tpu.barrier barrier_id(%barrier3A_122)
    %sub3A_123 = arith.constant 0 : i32
    %sub3A_124 = arith.subi %select_n3A, %sub3A_123 : i32
    %sub3A_125 = arith.constant 1 : i32
    %sub3A_126 = arith.constant 1 : i32
    %sub3A_127 = arith.subi %sub3A_125, %sub3A_126 : i32
    %add3A_128 = arith.addi %sub3A_124, %sub3A_127 : i32
    %div3A_129 = arith.constant 1 : i32
    %div3A_130 = arith.divsi %add3A_128, %div3A_129 : i32
    %while3A_131 = arith.constant 1 : i32
    %while3A_132 = arith.constant 0 : i32
    %while3A_133 = arith.constant 0 : i32
    %while3A_134 = arith.subi %div3A_130, %while3A_133 : i32
    %while3A_135 = arith.addi %while3A_133, %while3A_134 : i32
    %while3A_136 = arith.constant 1 : i32
    %while3A_137 = arith.divsi %while3A_134, %while3A_136 : i32
    %while3A_138 = arith.muli %while3A_137, %while3A_136 : i32
    %while3A_139 = arith.addi %while3A_133, %while3A_138 : i32
    %while3A_140 = arith.constant 1 : i32
    scf.for %while3A_142 = %while3A_133 to %while3A_139 step %while3A_140  : i32 {
      %mul3A_143 = arith.muli %while3A_142, %while3A_131 : i32
      %add3A_144 = arith.addi %while3A_132, %mul3A_143 : i32
      %mul3A_145 = arith.constant 80 : i32
      %mul3A_146 = arith.muli %add3A_144, %mul3A_145 : i32
      %add3A_147 = arith.addi %mul3A_0, %mul3A_146 : i32
      "tpu.region"() ({
        %run_scoped3A_150 = tpu.sem_alloc : memref<!tpu.dma_semaphore, #tpu.memory_space<semaphore_mem>>
        %dma_start3A_151 = arith.constant 0 : i32
        %dma_start3A_152 = tpu.memref_slice %arg16[%add3A_147, %dma_start3A_151] : memref<10000x128xf32, #tpu.memory_space<vmem_shared>> -> memref<80x128xf32, #tpu.memory_space<vmem_shared>>
        %dma_start3A_153 = arith.constant 0 : i32
        %dma_start3A_154 = tpu.memref_slice %arg16[%add3A_147, %dma_start3A_153] : memref<10000x128xf32, #tpu.memory_space<vmem_shared>> -> memref<80x128xf32, #tpu.memory_space<vmem_shared>>
        tpu.enqueue_dma source(%dma_start3A_154 : memref<80x128xf32, #tpu.memory_space<vmem_shared>>) target(%arg13 : memref<80x128xf32, #tpu.memory_space<vmem>>) target_semaphore(%run_scoped3A_150 : memref<!tpu.dma_semaphore, #tpu.memory_space<semaphore_mem>>)
        %dma_wait3A_155 = arith.constant 0 : i32
        %dma_wait3A_156 = tpu.memref_slice %arg16[%add3A_147, %dma_wait3A_155] : memref<10000x128xf32, #tpu.memory_space<vmem_shared>> -> memref<80x128xf32, #tpu.memory_space<vmem_shared>>
        %dma_wait3A_157 = arith.constant 0 : i32
        %dma_wait3A_158 = tpu.memref_slice %arg16[%add3A_147, %dma_wait3A_157] : memref<10000x128xf32, #tpu.memory_space<vmem_shared>> -> memref<80x128xf32, #tpu.memory_space<vmem_shared>>
        tpu.wait_dma2 semaphore(%run_scoped3A_150 : memref<!tpu.dma_semaphore, #tpu.memory_space<semaphore_mem>>) src(%dma_wait3A_158 : memref<80x128xf32, #tpu.memory_space<vmem_shared>>) dst(%arg13 : memref<80x128xf32, #tpu.memory_space<vmem>>)
        tpu.yield
      }) : () -> ()
      %mul3A_148 = arith.constant 128 : i32
      %mul3A_149 = arith.muli %arg0, %mul3A_148 : i32
      "tpu.region"() ({
        %run_scoped3A_150 = tpu.sem_alloc : memref<!tpu.dma_semaphore, #tpu.memory_space<semaphore_mem>>
        %dma_start3A_151 = tpu.memref_slice %arg7[%add3A_147, %mul3A_149] : memref<10000x256xf32, #tpu.memory_space<hbm>> -> memref<80x128xf32, #tpu.memory_space<hbm>>
        %dma_start3A_152 = tpu.memref_slice %arg7[%add3A_147, %mul3A_149] : memref<10000x256xf32, #tpu.memory_space<hbm>> -> memref<80x128xf32, #tpu.memory_space<hbm>>
        tpu.enqueue_dma source(%arg13 : memref<80x128xf32, #tpu.memory_space<vmem>>) target(%dma_start3A_152 : memref<80x128xf32, #tpu.memory_space<hbm>>) target_semaphore(%run_scoped3A_150 : memref<!tpu.dma_semaphore, #tpu.memory_space<semaphore_mem>>)
        %dma_wait3A_153 = tpu.memref_slice %arg7[%add3A_147, %mul3A_149] : memref<10000x256xf32, #tpu.memory_space<hbm>> -> memref<80x128xf32, #tpu.memory_space<hbm>>
        %dma_wait3A_154 = tpu.memref_slice %arg7[%add3A_147, %mul3A_149] : memref<10000x256xf32, #tpu.memory_space<hbm>> -> memref<80x128xf32, #tpu.memory_space<hbm>>
        tpu.wait_dma2 semaphore(%run_scoped3A_150 : memref<!tpu.dma_semaphore, #tpu.memory_space<semaphore_mem>>) src(%arg13 : memref<80x128xf32, #tpu.memory_space<vmem>>) dst(%dma_wait3A_154 : memref<80x128xf32, #tpu.memory_space<hbm>>)
        tpu.yield
      }) : () -> ()
    }
    %while3A_141 = arith.constant 1 : i32
    scf.for %while3A_142 = %while3A_139 to %while3A_135 step %while3A_141  : i32 {
      %mul3A_143 = arith.muli %while3A_142, %while3A_131 : i32
      %add3A_144 = arith.addi %while3A_132, %mul3A_143 : i32
      %mul3A_145 = arith.constant 80 : i32
      %mul3A_146 = arith.muli %add3A_144, %mul3A_145 : i32
      %add3A_147 = arith.addi %mul3A_0, %mul3A_146 : i32
      "tpu.region"() ({
        %run_scoped3A_150 = tpu.sem_alloc : memref<!tpu.dma_semaphore, #tpu.memory_space<semaphore_mem>>
        %dma_start3A_151 = arith.constant 0 : i32
        %dma_start3A_152 = tpu.memref_slice %arg16[%add3A_147, %dma_start3A_151] : memref<10000x128xf32, #tpu.memory_space<vmem_shared>> -> memref<80x128xf32, #tpu.memory_space<vmem_shared>>
        %dma_start3A_153 = arith.constant 0 : i32
        %dma_start3A_154 = tpu.memref_slice %arg16[%add3A_147, %dma_start3A_153] : memref<10000x128xf32, #tpu.memory_space<vmem_shared>> -> memref<80x128xf32, #tpu.memory_space<vmem_shared>>
        tpu.enqueue_dma source(%dma_start3A_154 : memref<80x128xf32, #tpu.memory_space<vmem_shared>>) target(%arg13 : memref<80x128xf32, #tpu.memory_space<vmem>>) target_semaphore(%run_scoped3A_150 : memref<!tpu.dma_semaphore, #tpu.memory_space<semaphore_mem>>)
        %dma_wait3A_155 = arith.constant 0 : i32
        %dma_wait3A_156 = tpu.memref_slice %arg16[%add3A_147, %dma_wait3A_155] : memref<10000x128xf32, #tpu.memory_space<vmem_shared>> -> memref<80x128xf32, #tpu.memory_space<vmem_shared>>
        %dma_wait3A_157 = arith.constant 0 : i32
        %dma_wait3A_158 = tpu.memref_slice %arg16[%add3A_147, %dma_wait3A_157] : memref<10000x128xf32, #tpu.memory_space<vmem_shared>> -> memref<80x128xf32, #tpu.memory_space<vmem_shared>>
        tpu.wait_dma2 semaphore(%run_scoped3A_150 : memref<!tpu.dma_semaphore, #tpu.memory_space<semaphore_mem>>) src(%dma_wait3A_158 : memref<80x128xf32, #tpu.memory_space<vmem_shared>>) dst(%arg13 : memref<80x128xf32, #tpu.memory_space<vmem>>)
        tpu.yield
      }) : () -> ()
      %mul3A_148 = arith.constant 128 : i32
      %mul3A_149 = arith.muli %arg0, %mul3A_148 : i32
      "tpu.region"() ({
        %run_scoped3A_150 = tpu.sem_alloc : memref<!tpu.dma_semaphore, #tpu.memory_space<semaphore_mem>>
        %dma_start3A_151 = tpu.memref_slice %arg7[%add3A_147, %mul3A_149] : memref<10000x256xf32, #tpu.memory_space<hbm>> -> memref<80x128xf32, #tpu.memory_space<hbm>>
        %dma_start3A_152 = tpu.memref_slice %arg7[%add3A_147, %mul3A_149] : memref<10000x256xf32, #tpu.memory_space<hbm>> -> memref<80x128xf32, #tpu.memory_space<hbm>>
        tpu.enqueue_dma source(%arg13 : memref<80x128xf32, #tpu.memory_space<vmem>>) target(%dma_start3A_152 : memref<80x128xf32, #tpu.memory_space<hbm>>) target_semaphore(%run_scoped3A_150 : memref<!tpu.dma_semaphore, #tpu.memory_space<semaphore_mem>>)
        %dma_wait3A_153 = tpu.memref_slice %arg7[%add3A_147, %mul3A_149] : memref<10000x256xf32, #tpu.memory_space<hbm>> -> memref<80x128xf32, #tpu.memory_space<hbm>>
        %dma_wait3A_154 = tpu.memref_slice %arg7[%add3A_147, %mul3A_149] : memref<10000x256xf32, #tpu.memory_space<hbm>> -> memref<80x128xf32, #tpu.memory_space<hbm>>
        tpu.wait_dma2 semaphore(%run_scoped3A_150 : memref<!tpu.dma_semaphore, #tpu.memory_space<semaphore_mem>>) src(%arg13 : memref<80x128xf32, #tpu.memory_space<vmem>>) dst(%dma_wait3A_154 : memref<80x128xf32, #tpu.memory_space<hbm>>)
        tpu.yield
      }) : () -> ()
    }
    return
  }
}

module attributes {stable_mosaic.version = 14 : i64} {
  func.func @_mm_body(%arg0: i32, %arg1: i32, %arg2: memref<16000x16xf32, #tpu.memory_space<vmem>>, %arg3: memref<16x128xf32, #tpu.memory_space<vmem>>, %arg4: memref<2x128xf32, #tpu.memory_space<vmem>>, %arg5: memref<16000x128xf32, #tpu.memory_space<vmem>>) attributes {dimension_semantics = [#tpu.dimension_semantics<arbitrary>, #tpu.dimension_semantics<arbitrary>], iteration_bounds = array<i64: 2, 10>, scalar_prefetch = 0 : i64, scratch_operands = 0 : i64, tpu.core_type = #tpu.core_type<tc>, window_params = [{transform_indices = @transform_0, window_bounds = array<i64: 16000, 16>}, {transform_indices = @transform_1, window_bounds = array<i64: 16, 128>}, {pipeline_mode = #tpu.pipeline_mode<synchronous>, transform_indices = @transform_2, window_bounds = array<i64: 2, 128>}, {transform_indices = @transform_3, window_bounds = array<i64: 16000, 128>}]} {
    %get3A = arith.constant 0 : index
    %get3A_0 = arith.constant 0 : index
    %get3A_1 = vector.load %arg2[%get3A, %get3A_0] : memref<16000x16xf32, #tpu.memory_space<vmem>>, vector<16000x16xf32>
    %get3A_2 = arith.constant 0 : index
    %get3A_3 = arith.constant 0 : index
    %get3A_4 = vector.load %arg3[%get3A_2, %get3A_3] : memref<16x128xf32, #tpu.memory_space<vmem>>, vector<16x128xf32>
    %dot_general3A = arith.constant dense<0.000000e+00> : vector<16000x128xf32>
    %dot_general3A_5 = tpu.matmul %get3A_1, %get3A_4, %dot_general3A {dimension_numbers = #tpu.dot_dimension_numbers<[1], [0], [0], [1], [0, 0, 1, 1], [], []>, transpose_lhs_hint = false} : vector<16000x16xf32>, vector<16x128xf32>, vector<16000x128xf32> -> vector<16000x128xf32>
    %get3A_6 = arith.index_cast %arg0 : i32 to index
    %get3A_7 = arith.constant 0 : index
    %get3A_8 = vector.load %arg4[%get3A_6, %get3A_7] : memref<2x128xf32, #tpu.memory_space<vmem>>, vector<1x128xf32>
    %add3A = vector.broadcast %get3A_8 : vector<1x128xf32> to vector<16000x128xf32>
    %add3A_9 = arith.addf %dot_general3A_5, %add3A : vector<16000x128xf32>
    %max3A = arith.constant 0.000000e+00 : f32
    %max3A_10 = vector.broadcast %max3A : f32 to vector<16000x128xf32>
    %max3A_11 = arith.maximumf %add3A_9, %max3A_10 : vector<16000x128xf32>
    %swap3A = arith.constant 0 : index
    %swap3A_12 = arith.constant 0 : index
    %swap3A_13 = vector.load %arg5[%swap3A, %swap3A_12] : memref<16000x128xf32, #tpu.memory_space<vmem>>, vector<16000x128xf32>
    tpu.vector_store %arg5[%swap3A, %swap3A_12], %max3A_11 {strides = array<i32>} : memref<16000x128xf32, #tpu.memory_space<vmem>>, vector<16000x128xf32>,
    return
  }
  func.func @transform_0(%arg0: i32, %arg1: i32) -> (i32, i32) {
    %c0_i32 = arith.constant 0 : i32
    %c0_i32_0 = arith.constant 0 : i32
    return %arg1, %c0_i32 : i32, i32
  }
  func.func @transform_1(%arg0: i32, %arg1: i32) -> (i32, i32) {
    %c0_i32 = arith.constant 0 : i32
    %c0_i32_0 = arith.constant 0 : i32
    return %c0_i32, %arg0 : i32, i32
  }
  func.func @transform_2(%arg0: i32, %arg1: i32) -> (i32, i32) {
    %c0_i32 = arith.constant 0 : i32
    %c0_i32_0 = arith.constant 0 : i32
    %c0_i32_1 = arith.constant 0 : i32
    return %c0_i32, %c0_i32_0 : i32, i32
  }
  func.func @transform_3(%arg0: i32, %arg1: i32) -> (i32, i32) {
    %mul3A = arith.constant 10 : i32
    %mul3A_0 = arith.muli %arg0, %mul3A : i32
    %add3A = arith.addi %mul3A_0, %arg1 : i32
    %c0_i32 = arith.constant 0 : i32
    %c0_i32_1 = arith.constant 0 : i32
    return %add3A, %c0_i32 : i32, i32
  }
}

module attributes {stable_mosaic.version = 14 : i64} {
  func.func @_mm_body(%arg0: i32, %arg1: i32, %arg2: memref<10000x256xf32, #tpu.memory_space<vmem>>, %arg3: memref<256x128xf32, #tpu.memory_space<vmem>>, %arg4: memref<2x128xf32, #tpu.memory_space<vmem>>, %arg5: memref<10000x128xf32, #tpu.memory_space<vmem>>) attributes {dimension_semantics = [#tpu.dimension_semantics<arbitrary>, #tpu.dimension_semantics<arbitrary>], iteration_bounds = array<i64: 2, 1>, scalar_prefetch = 0 : i64, scratch_operands = 0 : i64, tpu.core_type = #tpu.core_type<tc>, window_params = [{transform_indices = @transform_0, window_bounds = array<i64: 10000, 256>}, {transform_indices = @transform_1, window_bounds = array<i64: 256, 128>}, {pipeline_mode = #tpu.pipeline_mode<synchronous>, transform_indices = @transform_2, window_bounds = array<i64: 2, 128>}, {transform_indices = @transform_3, window_bounds = array<i64: 10000, 128>}]} {
    %get3A = arith.constant 0 : index
    %get3A_0 = arith.constant 0 : index
    %get3A_1 = vector.load %arg2[%get3A, %get3A_0] : memref<10000x256xf32, #tpu.memory_space<vmem>>, vector<10000x256xf32>
    %get3A_2 = arith.constant 0 : index
    %get3A_3 = arith.constant 0 : index
    %get3A_4 = vector.load %arg3[%get3A_2, %get3A_3] : memref<256x128xf32, #tpu.memory_space<vmem>>, vector<256x128xf32>
    %dot_general3A = arith.constant dense<0.000000e+00> : vector<10000x128xf32>
    %dot_general3A_5 = tpu.matmul %get3A_1, %get3A_4, %dot_general3A {dimension_numbers = #tpu.dot_dimension_numbers<[1], [0], [0], [1], [0, 0, 1, 1], [], []>, transpose_lhs_hint = false} : vector<10000x256xf32>, vector<256x128xf32>, vector<10000x128xf32> -> vector<10000x128xf32>
    %get3A_6 = arith.index_cast %arg0 : i32 to index
    %get3A_7 = arith.constant 0 : index
    %get3A_8 = vector.load %arg4[%get3A_6, %get3A_7] : memref<2x128xf32, #tpu.memory_space<vmem>>, vector<1x128xf32>
    %add3A = vector.broadcast %get3A_8 : vector<1x128xf32> to vector<10000x128xf32>
    %add3A_9 = arith.addf %dot_general3A_5, %add3A : vector<10000x128xf32>
    %max3A = arith.constant 0.000000e+00 : f32
    %max3A_10 = vector.broadcast %max3A : f32 to vector<10000x128xf32>
    %max3A_11 = arith.maximumf %add3A_9, %max3A_10 : vector<10000x128xf32>
    %swap3A = arith.constant 0 : index
    %swap3A_12 = arith.constant 0 : index
    %swap3A_13 = vector.load %arg5[%swap3A, %swap3A_12] : memref<10000x128xf32, #tpu.memory_space<vmem>>, vector<10000x128xf32>
    tpu.vector_store %arg5[%swap3A, %swap3A_12], %max3A_11 {strides = array<i32>} : memref<10000x128xf32, #tpu.memory_space<vmem>>, vector<10000x128xf32>,
    return
  }
  func.func @transform_0(%arg0: i32, %arg1: i32) -> (i32, i32) {
    %c0_i32 = arith.constant 0 : i32
    %c0_i32_0 = arith.constant 0 : i32
    return %arg1, %c0_i32 : i32, i32
  }
  func.func @transform_1(%arg0: i32, %arg1: i32) -> (i32, i32) {
    %c0_i32 = arith.constant 0 : i32
    %c0_i32_0 = arith.constant 0 : i32
    return %c0_i32, %arg0 : i32, i32
  }
  func.func @transform_2(%arg0: i32, %arg1: i32) -> (i32, i32) {
    %c0_i32 = arith.constant 0 : i32
    %c0_i32_0 = arith.constant 0 : i32
    %c0_i32_1 = arith.constant 0 : i32
    return %c0_i32, %c0_i32_0 : i32, i32
  }
  func.func @transform_3(%arg0: i32, %arg1: i32) -> (i32, i32) {
    %mul3A = arith.constant 1 : i32
    %mul3A_0 = arith.muli %arg0, %mul3A : i32
    %add3A = arith.addi %mul3A_0, %arg1 : i32
    %c0_i32 = arith.constant 0 : i32
    %c0_i32_1 = arith.constant 0 : i32
    return %add3A, %c0_i32 : i32, i32
  }
}

</mosaic_0001>

<sc_bundles>
// kernel: kernel.5.cloned.1.call-start
scs
__scs_entry_jumppad:
0x0: {  	(pc) =	sbr.rel $0x88, $3  }
0x1: {  	(tag) =	ssettag $0x0;
	lr =	simm.s32 $0x1  }
0x2: {  	[smem:$0x3F9A] =	sst lr;
	_ =	strace $0xD0000000  }
0x3: {  	_ = 	snop  }
0x4: {  	_ = 	snop  }
0x5: {  	_ = 	snop  }
0x6: {  	_ = 	snop  }
0x7: {  	_ = 	snop  }
__scs_overlays_trampoline_lowered:
0x8: {  	[smem:$0x3FA9] =	sst s0  }
0x9: {  	[smem:$0x3FAA] =	sst s1  }
0xa: {  	[smem:$0x3FAB] =	sst s2  }
0xb: {  	[smem:$0x3FAC] =	sst s3  }
0xc: {  	[smem:$0x3FAD] =	sst s4  }
0xd: {  	[smem:$0x3FAE] =	sst s5  }
0xe: {  	[smem:$0x3FAF] =	sst s6  }
0xf: {  	[smem:$0x3FB0] =	sst s7  }
0x10: {  	[smem:$0x3FB1] =	sst s8  }
0x11: {  	[smem:$0x3FB2] =	sst s9;
	s0 =	simm.s32 @!p0 $0x0  }
0x12: {  	s1 =	sld [smem:$0x3F98];
	s0 =	simm.s32 @p0 $0x1  }
0x13: {  	[smem:$0x3FB3] =	sst s0;
	s0 =	simm.s32 @!p1 $0x0  }
0x14: {  	s2 =	sld [smem:$0x3F97];
	s0 =	simm.s32 @p1 $0x1  }
0x15: {  	[smem:$0x3FB4] =	sst s0;
	s0 =	simm.s32 @!p2 $0x0  }
0x16: {  	s3 =	sld [smem:$0x3FDB];
	s0 =	simm.s32 @p2 $0x1  }
0x17: {  	s4 =	simm.s32 $0x1BF5;
	[smem:$0x3FB6] =	sst s0  }
0x18: {  	s0 =	sld [smem:$0x3F99];
	_ =	swait.ge [sflag:s4], $0x0  }
0x19: {  	s7 =	sld [smem:$0x3F9A]  }
0x1a: {  	s8 =	sadd.s32 $0xFFFFE003, lr  }
0x1b: {  	s9 =	sadd.s32 $0xFFFFFEF7, lr;
	s5 =	simm.s32 $0xFFFFFFFF;
	p2 =	slt.u32 s8, $0xFFFFF086  }
0x1c: {  	p1 =	slt.u32 s9, $0xF7A;
	s5 =	simm.s32 @!p2 $0x0  }
0x1d: {  	s5 =	simm.s32 @p1 $0x1;
	p0 =	seq.s32 s7, s2  }
0x1e: {  	s7 =	smul.u32 @!p0 $0xF7A, s2;
	p2 =	seq.s32 @!p0 s5, $0x0  }
0x1f: {  	s9 =	smul.u32 $0xF7A, s1;
	s8 =	simm.s32 @!p0 $0x1BF5;
	p2 =	por !p2, p0  }
0x20: {  	[sflag:s8] =	ssyncset.s32 @!p0 $0xFFFFF086;
	s6 =	sadd.s32 @!p0 s3, s7;
	s7 =	simm.s32 @!p0 $0x108  }
0x21: {  	s3 =	sadd.s32 s3, s9;
	s6 =	sadd.s32 @!p0 $0x88, s6;
	s7 =	simm.s32 @p2 $0x1082  }
0x22: {  	[simem:s7], [sflag:s8] =	dma.local @!p0 [hbm:s6], $0xF7A  }
0x23: {  	s9 =	sor.u32 $0xD0000000, s2;
	s6 =	simm.s32 $0x108;
	_ =	swait.ge @!p0 [sflag:s8], $0x0  }
0x24: {  	s3 =	sadd.s32 $0x88, s3;
	s6 =	simm.s32 @!p1 $0x1082;
	[sflag:s4] =	ssyncset.s32 $0xFFFFF086  }
0x25: {  	[simem:s6], [sflag:s4] =	dma.local [hbm:s3], $0xF7A  }
0x26: {  	[smem:$0x3F9A] =	sst s1;
	(tag) =	ssettag s2;
	_ =	strace s9  }
0x27: {  	s1 =	sld [smem:$0x3FAA]  }
0x28: {  	s2 =	sld [smem:$0x3FAB]  }
0x29: {  	s4 =	sld [smem:$0x3FAD]  }
0x2a: {  	p0 =	seq.s32 s5, $0x0;
	s5 =	sld [smem:$0x3FAE]  }
0x2b: {  	s6 =	sld [smem:$0x3FAF]  }
0x2c: {  	s7 =	sld [smem:$0x3FB0]  }
0x2d: {  	s3 =	simm.s32 $0x108;
	s8 =	sld [smem:$0x3FB1]  }
0x2e: {  	s3 =	simm.s32 @!p0 $0x1082;
	s9 =	sld [smem:$0x3FB2]  }
0x2f: {  	lr =	sadd.s32 s0, s3;
	s0 =	sld [smem:$0x3FA9]  }
0x30: {  	s3 =	sld [smem:$0x3FAC]  }
0x31: {  	[smem:$0x3FB5] =	sst s10  }
0x32: {  	s10 =	sld [smem:$0x3FB3];
	_ =	sdelay $0x3  }
0x33: {  	p0 =	seq.s32 s10, $0x1;
	s10 =	sld [smem:$0x3FB5];
	_ =	sdelay $0x3  }
0x34: {  	[smem:$0x3FB5] =	sst s10  }
0x35: {  	s10 =	sld [smem:$0x3FB4];
	_ =	sdelay $0x3  }
0x36: {  	p1 =	seq.s32 s10, $0x1;
	s10 =	sld [smem:$0x3FB5];
	_ =	sdelay $0x3  }
0x37: {  	[smem:$0x3FB5] =	sst s10  }
0x38: {  	s10 =	sld [smem:$0x3FB6]  }
0x39: {  	_ = 	snop;
	(pc) =	sbr.ind lr, $3  }
0x3a: {  	_ = 	snop  }
0x3b: {  	_ = 	snop  }
0x3c: {  	p2 =	seq.s32 s10, $0x1;
	s10 =	sld [smem:$0x3FB5]  }
0x3d: {  	_ =	shalt  }
0x3e: {  	_ =	shalt  }
0x3f: {  	_ =	shalt  }
0x40: {  	_ =	shalt  }
0x41: {  	_ =	shalt  }
0x42: {  	_ =	shalt  }
0x43: {  	_ =	shalt  }
0x44: {  	_ =	shalt  }
0x45: {  	_ =	shalt  }
0x46: {  	_ =	shalt  }
0x47: {  	_ =	shalt  }
0x48: {  	_ =	shalt  }
0x49: {  	_ =	shalt  }
0x4a: {  	_ =	shalt  }
0x4b: {  	_ =	shalt  }
0x4c: {  	_ =	shalt  }
0x4d: {  	_ =	shalt  }
0x4e: {  	_ =	shalt  }
0x4f: {  	_ =	shalt  }
0x50: {  	_ =	shalt  }
0x51: {  	_ =	shalt  }
0x52: {  	_ =	shalt  }
0x53: {  	_ =	shalt  }
0x54: {  	_ =	shalt  }
0x55: {  	_ =	shalt  }
0x56: {  	_ =	shalt  }
0x57: {  	_ =	shalt  }
0x58: {  	_ =	shalt  }
0x59: {  	_ =	shalt  }
0x5a: {  	_ =	shalt  }
0x5b: {  	_ =	shalt  }
0x5c: {  	_ =	shalt  }
0x5d: {  	_ =	shalt  }
0x5e: {  	_ =	shalt  }
0x5f: {  	_ =	shalt  }
0x60: {  	_ =	shalt  }
0x61: {  	_ =	shalt  }
0x62: {  	_ =	shalt  }
0x63: {  	_ =	shalt  }
0x64: {  	_ =	shalt  }
0x65: {  	_ =	shalt  }
0x66: {  	_ =	shalt  }
0x67: {  	_ =	shalt  }
0x68: {  	_ =	shalt  }
0x69: {  	_ =	shalt  }
0x6a: {  	_ =	shalt  }
0x6b: {  	_ =	shalt  }
0x6c: {  	_ =	shalt  }
0x6d: {  	_ =	shalt  }
0x6e: {  	_ =	shalt  }
0x6f: {  	_ =	shalt  }
0x70: {  	_ =	shalt  }
0x71: {  	_ =	shalt  }
0x72: {  	_ =	shalt  }
0x73: {  	_ =	shalt  }
0x74: {  	_ =	shalt  }
0x75: {  	_ =	shalt  }
0x76: {  	_ =	shalt  }
0x77: {  	_ =	shalt  }
0x78: {  	_ =	shalt  }
0x79: {  	_ =	shalt  }
0x7a: {  	_ =	shalt  }
0x7b: {  	_ =	shalt  }
0x7c: {  	_ =	shalt  }
0x7d: {  	_ =	shalt  }
0x7e: {  	_ =	shalt  }
0x7f: {  	_ =	shalt  }
0x80: {  	_ =	shalt  }
0x81: {  	_ =	shalt  }
0x82: {  	_ =	shalt  }
0x83: {  	_ =	shalt  }
0x84: {  	_ =	shalt  }
0x85: {  	_ =	shalt  }
0x86: {  	_ =	shalt  }
0x87: {  	_ =	shalt  }
.Lfunc_end0:
.L_simem_size_0:
called_computation_lowered:
.L_overlay_start_0:
0x88: {  	s2 =	sld [smem:$0x3FD9]  }
0x89: {  	s3 =	sld [smem:$0x3FFE];
	_ =	sdelay $0x1  }
0x8a: {  	s1 =	srdreg.scid  }
0x8b: {  	s0 =	sand.u32 $0x1, s1  }
0x8c: {  	s17 =	sshll.u32 s0, $0xA;
	s2 =	sadd.s32 s3, s2  }
0x8d: {  	s2 =	sadd.s32 s2, s17  }
0x8e: {  	[smem:$0x3FC1] =	sst s2  }
0x8f: {  	_ = 	snop  }
0x90: {  	s2 =	sld [smem:$0x3FD0];
	(tm) =	ssettm $0x1  }
0x91: {  	s18 =	sld [smem:$0x3FFB];
	_ =	sdelay $0x3  }
0x92: {  	_ =	strace s18  }
0x93: {  	s3 =	sld [smem:$0x3FFC];
	_ =	sdelay $0x3  }
0x94: {  	_ =	strace s3  }
0x95: {  	s3 =	sld [smem:$0x3FFD];
	_ =	sdelay $0x3  }
0x96: {  	_ =	strace s3  }
0x97: {  	_ =	strace $0x8FFFFFFF  }
0x98: {  	s19 =	sld [smem:$0x3FDB];
	_ =	sdelay $0x1  }
0x99: {  	s4 =	simm.s32 $_scs_section_size  }
0x9a: {  	s5 =	simm.s32 $_size__tile_overlayer_lowered;
	s6 =	simm.s32 $_tile_overlayer_lowered  }
0x9b: {  	s22 =	simm.s32 $0x1BFF;
	s21 =	sshll.u32 s6, $0x1;
	s3 =	sadd.s32 s4, s19  }
0x9c: {  	s7 =	simm.s32 $0x0;
	s20 =	sshll.u32 s5, $0x1;
	s5 =	sadd.s32 s21, s3  }
0x9d: {  	[timem:s7], [sflag:s22] =	dma.local [hbm:s5], s20  }
0x9e: {  	_ =	swait.ge [sflag:s22], s20  }
0x9f: {  	s4 =	ssub.s32 $0x0, s20;
	[sflag:s22] =	ssyncset.done $0x0  }
0xa0: {  	[sflag:s22] =	ssyncadd.s32 s4;
	_ =	sdelay $0x1  }
0xa1: {  	s23 =	simm.s32 $0x1B8B  }
0xa2: {  	_ =	swait.ge [sflag:s23], $0x1  }
0xa3: {  	[sflag:s23] =	ssyncset.done $0x0  }
0xa4: {  	s25 =	simm.s32 $0x1B8E;
	s24 =	sld [smem:$0x3FFE];
	[sflag:s23] =	ssyncadd.s32 $0xFFFFFFFF  }
0xa5: {  	s26 =	simm.s32 $execute0_lowered;
	[smem:$0x3FD2] =	sst s25  }
0xa6: {  	s5 =	sshll.u32 s26, $0x1;
	_ =	strace $0x80000046;
	[dreg:$0x1] =	wrdreg $0xFFFFFFFF  }
0xa7: {  	s28 =	simm.s32 $_size_execute0_lowered;
	s3 =	sadd.s32 s3, s5;
	[dreg:$0x0] =	wrdreg $0x0  }
0xa8: {  	s5 =	sshll.u32 s28, $0x1;
	[dreg:$0x2] =	wrdreg s3  }
0xa9: {  	[dreg:$0x3] =	wrdreg s5  }
0xaa: {  	[dreg:$0x4] =	wrdreg $0xC0  }
0xab: {  	_ =	task [dreg:s7], $0x5FFFF  }
0xac: {  	[dreg:$0x1] =	wrdreg $0xFFFFFFFF  }
0xad: {  	[dreg:$0x0] =	wrdreg $0x60  }
0xae: {  	[dreg:$0x2] =	wrdreg s2  }
0xaf: {  	[dreg:$0x3] =	wrdreg s24  }
0xb0: {  	[dreg:$0x4] =	wrdreg $0x7A800  }
0xb1: {  	[dreg:$0x5] =	wrdreg $0x1B3000  }
0xb2: {  	[dreg:$0x6] =	wrdreg $0x9  }
0xb3: {  	_ =	task.clear_ibuf [dreg:s7], $0x7FFFF;
	_ =	strace $0x90000046  }
0xb4: {  	s29 =	simm.s32 $0x9;
	_ =	strace $0x80000048  }
0xb5: {  	_ =	swait.ge [sflag:s29], $0x1  }
0xb6: {  	[sflag:s29] =	ssyncadd.s32 $0xFFFFFFFF  }
0xb7: {  	_ =	strace $0x90000048  }
0xb8: {  	_ =	sfence  }
0xb9: {  	s30 =	sld [smem:$0x0];
	_ =	sdelay $0x2  }
0xba: {  	s31 =	sshll.u32 s1, $0xD;
	s1 =	sshrl.u32 s1, $0x2  }
0xbb: {  	s3 =	sand.u32 $0x4000, s31;
	s1 =	sadd.s32 s1, s30  }
0xbc: {  	s0 =	sor.u32 s3, s0;
	s1 =	sshll.u32 s1, $0x11  }
0xbd: {  	s0 =	sor.u32 s1, s0  }
0xbe: {  	s0 =	sadd.s32 $0x8F2B, s0  }
0xbf: {  	[sflag:s0] =	ssyncadd.remote.s32 $0x1  }
0xc0: {  	_ =	sfence.sel $0xFFFF  }
0xc1: {  	[dreg:$0x0] =	wrdreg $0xFFFFFFFF;
	(pc) =	sbr.abs _section_cstart, $3  }
0xc2: {  	[dreg:$0x1] =	wrdreg $0xFFFFFFFF  }
0xc3: {  	_ =	task.clear_ibuf [dreg:s7], $0x2FFFF;
	_ =	strace $0x9FFFFFFF  }
0xc4: {  	(tm) =	ssettm $0x7FFFFFFF  }
0xc5: {  	_ =	shalt  }
tec
execute0_lowered:
.L_overlay_start_1:
0x0: {  	(tag) =	ssettag $0x1  }
0x1: {  	s1 =	rddreg [dreg:$0x0]  }
0x2: {  	s0 =	rddreg [dreg:$0x1]  }
0x3: {  	s2 =	rddreg [dreg:$0x2]  }
0x4: {  	s13 =	rddreg [dreg:$0x3];
	s4 =	simm.s32 $0x0  }
0x5: {  	s3 =	srdreg.scid;
	s9 =	stileid.u32;
	s21 =	simm.s32 $0x5  }
0x6: {  	s12 =	simm.s32 $0x5;
	s30 =	simm.s32 $0x28;
	s31 =	simm.s32 $0x1E0  }
0x7: {  	s28 =	simm.s32 $0x3DE0;
	s29 =	simm.s32 $0x50;
	[smem:$0x7FF] =	sst s4  }
0x8: {  	s5 =	sadd.s32 $0x290E00, s0;
	s8 =	sadd.s32 $0x2400, s0;
	s16 =	sadd.s32 $0xC200, s0  }
0x9: {  	s17 =	sadd.s32 $0x16000, s0;
	s3 =	sand.u32 $0x1, s3;
	s26 =	smul.u32 $0x2710, s9  }
0xa: {  	s10 =	sadd.s32 $0x1FE00, s0;
	p0 =	seq.s32 s9, $0xF;
	s20 =	smul.u32 $0xA00, s9  }
0xb: {  	s23 =	smul.u32 $0x50000, s9;
	_ =	strace $0x80000047;
	s24 =	ssub.s32 $0x2, s3  }
0xc: {  	s7 =	sshll.u32 s3, $0x4;
	s11 =	smul.u32 $0x27100, s3;
	[dreg:$0x5] =	wrdreg s8  }
0xd: {  	s21 =	simm.s32 @!p0 $0x8;
	[dreg:$0x6] =	wrdreg s16;
	s25 =	sor.u32 s9, s7  }
0xe: {  	[dreg:$0x7] =	wrdreg s17;
	s6 =	sshrl.u32 s24, $0x1;
	s15 =	smul.u32 $0x4E2, s25  }
0xf: {  	s3 =	sshll.u32 s3, $0x7;
	s0 =	ssub.s32 s24, s6;
	s6 =	smul.u32 $0xFA, s25  }
0x10: {  	[dreg:$0x8] =	wrdreg s21;
	s14 =	sadd.s32 s26, s11;
	s24 =	smul.u32 $0x28000, s9  }
0x11: {  	s25 =	sshrl.u32 s20, $0x2;
	s20 =	simm.s32 $0x80;
	s19 =	sshrl.u32 s14, $0x3  }
0x12: {  	s7 =	sshll.u32 s14, $0x4;
	s0 =	smax.u32 s0, $0x1;
	[dreg:$0x9] =	wrdreg s6  }
0x13: {  	s11 =	sadd.s32 s8, s15;
	s18 =	sadd.s32 s16, s15;
	[dreg:$0xe] =	wrdreg s0  }
0x14: {  	s6 =	sadd.s32 s17, s19;
	s22 =	sadd.s32 s5, s7;
	[dreg:$0xa] =	wrdreg s11  }
0x15: {  	s19 =	sadd.s32 $0x28, s14;
	s0 =	sadd.s32 s25, s13;
	[dreg:$0xb] =	wrdreg s18  }
0x16: {  	s26 =	sor.u32 s3, s24;
	s24 =	simm.s32 $0x51E0;
	[dreg:$0xc] =	wrdreg s6  }
0x17: {  	s25 =	simm.s32 $0xA;
	s7 =	simm.s32 $0x15E0;
	[dreg:$0xd] =	wrdreg s22  }
0x18: {  	s15 =	simm.s32 $0x3;
	s16 =	simm.s32 $0x4;
	[dreg:$0xf] =	wrdreg s0  }
0x19: {  	s17 =	simm.s32 $0x6;
	s6 =	sshrl.u32 s23, $0x2;
	[dreg:$0x11] =	wrdreg s26  }
0x1a: {  	s26 =	simm.s32 $0x79E0;
	s0 =	simm.s32 $0x7A30;
	s9 =	sadd.s32 s6, s2  }
0x1b: {  	v0 =	vimm.f32 $0.0e+00;
	v1 =	vimm.f32 $1.000000000e+00;
	s18 =	simm.s32 $0x100;
	s6 =	simm.s32 $0x0;
	[dreg:$0x10] =	wrdreg s9  }
.LBB2_1:
0x1c: {  	[dreg:$0x12] =	wrdreg s6;
	s3 =	simm.s32 $0x0;
	s6 =	simm.s32 $0x200  }
.LBB2_2:
0x1d: {  	p0 =	sne.s32 s6, $0x9E00;
	[tilespmem:s3+$0x5250] =	vst v0  }
0x1e: {  	[tilespmem:s3+$0x51E0] =	vst v0  }
0x1f: {  	[tilespmem:s3+$0x51F0] =	vst v0  }
.Ltmp0:
0x20: {  	[tilespmem:s3+$0x5200] =	vst v0;
	(pc) =	sbr.rel @p0 .LBB2_2-.Ltmp0, $4  }
0x21: {  	[tilespmem:s3+$0x5210] =	vst v0  }
0x22: {  	[tilespmem:s3+$0x5220] =	vst v0  }
0x23: {  	[tilespmem:s3+$0x5230] =	vst v0  }
0x24: {  	[tilespmem:s3+$0x5240] =	vst v0;
	s3 =	sshra.s32 s6, $0x2;
	s6 =	sadd.s32 $0x200, s6  }
0x25: {  	[tilespmem:s3+$0x5250] =	vst v0  }
0x26: {  	[tilespmem:s3+$0x51E0] =	vst v0  }
0x27: {  	[tilespmem:s3+$0x51F0] =	vst v0  }
0x28: {  	[tilespmem:s3+$0x5200] =	vst v0  }
0x29: {  	[tilespmem:s3+$0x5210] =	vst v0  }
0x2a: {  	[tilespmem:s3+$0x5220] =	vst v0  }
0x2b: {  	[tilespmem:s3+$0x5230] =	vst v0  }
0x2c: {  	[tilespmem:s3+$0x5240] =	vst v0  }
0x2d: {  	[tilespmem:$0x7A30] =	vst v1  }
0x2e: {  	[tilespmem:$0x79E0] =	vst v0  }
0x2f: {  	[tilespmem:$0x7A40] =	vst v1  }
0x30: {  	[tilespmem:$0x79F0] =	vst v0  }
0x31: {  	[tilespmem:$0x7A50] =	vst v1  }
0x32: {  	[tilespmem:$0x7A00] =	vst v0  }
0x33: {  	[tilespmem:$0x7A60] =	vst v1  }
0x34: {  	[tilespmem:$0x7A10] =	vst v0  }
0x35: {  	[tilespmem:$0x7A70] =	vst v1  }
0x36: {  	[tilespmem:$0x7A20] =	vst v0  }
0x37: {  	[spmem:s9] =	stream.linear.scatter [tilespmem:s24], [sflag:$0xA], $0x2800, $0x38;
	[tilespmem:$0x1B578] =	vst v63  }
0x38: {  	p0 =	sne.s32 s21, $0x1;
	_ =	swait.ge [sflag:s25], $0x2800  }
.Ltmp1:
0x39: {  	[sflag:s25] =	ssyncset.done $0x0;
	(pc) =	sbr.rel @!p0 .LBB2_5-.Ltmp1, $4  }
0x3a: {  	s6 =	rddreg [dreg:$0xf];
	[sflag:s25] =	ssyncadd.s32 $0xFFFFD800  }
0x3b: {  	[spmem:s6] =	stream.linear.scatter [tilespmem:s26], [sflag:$0xA], $0x50, $0x38;
	[tilespmem:$0x1B578] =	vst v63  }
0x3c: {  	_ =	swait.ge [sflag:s25], $0x50  }
0x3d: {  	s3 =	sadd.s32 $0xFFFFFFFF, s21;
	s11 =	smov.u32 s9;
	[sflag:s25] =	ssyncset.done $0x0  }
.LBB2_4:
0x3e: {  	[sflag:s25] =	ssyncadd.s32 $0xFFFFFFB0;
	s6 =	sadd.s32 $0x50, s6;
	s11 =	sadd.s32 $0x2800, s11  }
0x3f: {  	[spmem:s11] =	stream.linear.scatter [tilespmem:s24], [sflag:$0xA], $0x2800, $0x38;
	[tilespmem:$0x1B578] =	vst v63  }
0x40: {  	p1 =	sne.s32 s3, $0x1;
	s3 =	sadd.s32 $0xFFFFFFFF, s3;
	_ =	swait.ge [sflag:s25], $0x2800  }
.Ltmp2:
0x41: {  	[sflag:s25] =	ssyncset.done $0x0;
	(pc) =	sbr.rel @p1 .LBB2_4-.Ltmp2, $4  }
0x42: {  	[sflag:s25] =	ssyncadd.s32 $0xFFFFD800  }
0x43: {  	[spmem:s6] =	stream.linear.scatter [tilespmem:s26], [sflag:$0xA], $0x50, $0x38;
	[tilespmem:$0x1B578] =	vst v63  }
0x44: {  	_ =	swait.ge [sflag:s25], $0x50  }
0x45: {  	[sflag:s25] =	ssyncset.done $0x0  }
.LBB2_5:
0x46: {  	[sflag:s25] =	ssyncadd.s32 $0xFFFFFFB0  }
0x47: {  	[bflag:$0x0] =	sbarrier.arrive $0xFFFF  }
0x48: {  	s23 =	simm.s32 $0x0;
	s3 =	rddreg [dreg:$0xa]  }
0x49: {  	[tilespmem:s23], [sflag:$0xA] =	stream.linear.gather [hbm4b:s3+s23], $0x50, $0x38;
	[tilespmem:$0x1B578] =	vst v63  }
0x4a: {  	_ =	swait.ge [sflag:s25], $0x50  }
0x4b: {  	[sflag:s25] =	ssyncset.done $0x0  }
0x4c: {  	s6 =	simm.s32 $0xA0;
	s8 =	rddreg [dreg:$0xb];
	[sflag:s25] =	ssyncadd.s32 $0xFFFFFFB0  }
0x4d: {  	[tilespmem:s6], [sflag:$0xA] =	stream.linear.gather [hbm4b:s8+s23], $0x50, $0x38;
	[tilespmem:$0x1B578] =	vst v63  }
0x4e: {  	_ =	swait.ge [sflag:s25], $0x50  }
0x4f: {  	[sflag:s25] =	ssyncset.done $0x0  }
0x50: {  	s11 =	simm.s32 $0x140;
	s9 =	rddreg [dreg:$0xc];
	[sflag:s25] =	ssyncadd.s32 $0xFFFFFFB0  }
0x51: {  	[tilespmem:s11], [sflag:$0xA] =	stream.linear.gather [hbm4b:s9+s23], $0x50, $0x38;
	[tilespmem:$0x1B578] =	vst v63  }
0x52: {  	_ =	swait.ge [sflag:s25], $0x50  }
0x53: {  	[sflag:s25] =	ssyncset.done $0x0  }
0x54: {  	[sflag:s25] =	ssyncadd.s32 $0xFFFFFFB0  }
0x55: {  	[tilespmem:s31], [sflag:$0x3] =	stream.indirect.gather [hbm4b:s1+s30], $0x80, s23, s30, $0xb8;
	[tilespmem:$0x1B578] =	vst v63  }
0x56: {  	s22 =	simm.s32 $0x29E0;
	s21 =	rddreg [dreg:$0xd]  }
0x57: {  	[tilespmem:s22], [sflag:$0x5] =	stream.linear.gather [hbm4b:s21+s23], $0x1400, $0x38;
	[tilespmem:$0x1B578] =	vst v63  }
.LBB2_6:
0x58: {  	p1 =	seq.s32 s23, $0x0  }
0x59: {  	s22 =	sand.u32 $0x1, s23;
	s9 =	smul.u32 $0x50, s23;
	s3 =	simm.s32 @!p1 $0x8  }
0x5a: {  	s21 =	smul.u32 $0x50, s22;
	_ =	swait.ge @!p1 [sflag:s3], $0x1400  }
0x5b: {  	[sflag:s3] =	ssyncset.done @!p1 $0x0  }
0x5c: {  	s11 =	sadd.s32 $0x28, s21;
	[sflag:s3] =	ssyncadd.s32 @!p1 $0xFFFFEC00;
	s3 =	sadd.s32 s9, s19  }
0x5d: {  	[tilespmem:s7], [sflag:$0x4] =	stream.indirect.gather [hbm4b:s1+s30], $0x80, s11, s30, $0xb8;
	[tilespmem:$0x1B578] =	vst v63  }
0x5e: {  	p2 =	seq.s32 @!p1 s23, $0x7C;
	s3 =	sshll.u32 s3, $0x4  }
0x5f: {  	p2 =	por p1, !p2;
	s3 =	sadd.s32 s5, s3  }
0x60: {  	[tilespmem:s28], [sflag:$0x6] =	stream.linear.gather [hbm4b:s3+s4], $0x1400, $0x38;
	[tilespmem:$0x1B578] =	vst v63  }
.Ltmp3:
0x61: {  	_ = 	snop;
	(pc) =	sbr.rel @p2 .LBB2_8-.Ltmp3, $4  }
0x62: {  	s3 =	simm.s32 @!p1 $0x9  }
0x63: {  	_ =	swait.ge @!p1 [sflag:s3], $0x50  }
0x64: {  	[sflag:s3] =	ssyncset.done @!p1 $0x0  }
0x65: {  	[sflag:s3] =	ssyncadd.s32 @!p1 $0xFFFFFFB0  }
.Ltmp4:
0x66: {  	(pc) =	sbr.rel .LBB2_9-.Ltmp4, $2  }
0x67: {  	_ =	sdelay $0x2  }
0x68: {  	s23 =	simm.s32 @!p1 $0x7D;
	p1 =	por @!p1 $0x1, $0x1  }
.LBB2_8:
0x69: {  	s23 =	sadd.s32 @!p1 $0x1, s23  }
0x6a: {  	s23 =	simm.s32 @p1 $0x1  }
0x6b: {  	s6 =	rddreg [dreg:$0x9];
	s3 =	sshll.u32 s23, $0x1  }
0x6c: {  	s3 =	sadd.s32 s6, s3  }
0x6d: {  	s28 =	rddreg [dreg:$0x6];
	s9 =	sand.u32 $0x1, s23;
	s3 =	smul.u32 $0x5, s3  }
0x6e: {  	s8 =	smul.u32 $0x50, s9;
	s6 =	sadd.s32 $0x1, s9;
	s9 =	rddreg [dreg:$0x5]  }
0x6f: {  	s9 =	sadd.s32 s9, s3;
	s3 =	sadd.s32 s28, s3  }
0x70: {  	[tilespmem:s8], [sflag:s6] =	stream.linear.gather [hbm4b:s9+s4], $0x50, $0x38;
	[tilespmem:$0x1B578] =	vst v63  }
0x71: {  	s28 =	smov.u32 s13;
	s13 =	smul.u32 $0x50, s23;
	s9 =	sadd.s32 $0xA0, s8  }
0x72: {  	[tilespmem:s9], [sflag:s6] =	stream.linear.gather [hbm4b:s3+s4], $0x50, $0x38;
	[tilespmem:$0x1B578] =	vst v63  }
0x73: {  	p1 =	por $0x0, $0x0;
	s9 =	sadd.s32 s14, s13  }
0x74: {  	s8 =	sadd.s32 $0x140, s8;
	s3 =	sshrl.u32 s9, $0x3;
	s9 =	rddreg [dreg:$0x7]  }
0x75: {  	s13 =	smov.u32 s28;
	s28 =	simm.s32 $0x3DE0;
	s3 =	sadd.s32 s9, s3  }
0x76: {  	[tilespmem:s8], [sflag:s6] =	stream.linear.gather [hbm4b:s3+s4], $0x50, $0x38;
	[tilespmem:$0x1B578] =	vst v63  }
.LBB2_9:
0x77: {  	s3 =	sadd.s32 $0x140, s21  }
0x78: {  	[spmem:s13] =	stream.indirect.scatter.add.f32 [tilespmem:s0], [sflag:$0x9], $0x1, s3, s29, $0xb8;
	[tilespmem:$0x1B578] =	vst v63  }
0x79: {  	_ =	swait.ge [sflag:s15], $0x1400  }
0x7a: {  	[sflag:s15] =	ssyncset.done $0x0  }
0x7b: {  	[sflag:s15] =	ssyncadd.s32 $0xFFFFEC00  }
0x7c: {  	_ =	swait.ge [sflag:s12], $0x1400  }
0x7d: {  	[sflag:s12] =	ssyncset.done $0x0  }
0x7e: {  	s3 =	simm.s32 $0x0;
	[sflag:s12] =	ssyncadd.s32 $0xFFFFEC00  }
0x7f: {  	v9 =	vld [tilespmem:s3+$0x29E0]  }
0x80: {  	v13 =	vld [tilespmem:s3+$0x29F0]  }
0x81: {  	v7 =	vld [tilespmem:s3+$0x2A00]  }
0x82: {  	v6 =	vld [tilespmem:s3+$0x2A10]  }
0x83: {  	v5 =	vld [tilespmem:s3+$0x2A20]  }
0x84: {  	v4 =	vld [tilespmem:s3+$0x2A30]  }
0x85: {  	v3 =	vld [tilespmem:s3+$0x2A40]  }
0x86: {  	v2 =	vld [tilespmem:s3+$0x2A50]  }
0x87: {  	v14 =	vld [tilespmem:s3+$0x1E0]  }
0x88: {  	v15 =	vld [tilespmem:s3+$0x1F0]  }
0x89: {  	v12 =	vld [tilespmem:s3+$0x200]  }
0x8a: {  	v11 =	vld [tilespmem:s3+$0x210]  }
0x8b: {  	v10 =	vld [tilespmem:s3+$0x220]  }
0x8c: {  	v8 =	vld [tilespmem:s3+$0x230];
	v14 =	vmul.f32 v9, v14  }
0x8d: {  	s6 =	simm.s32 $0x200;
	v13 =	vmul.f32 v13, v15;
	v9 =	vld [tilespmem:s3+$0x240]  }
.LBB2_10:
0x8e: {  	s8 =	sshra.s32 s6, $0x2;
	p2 =	sne.s32 s6, $0x4E00;
	[tilespmem:s3+$0x1E0] =	vst v14;
	v7 =	vmul.f32 v7, v12;
	v12 =	vld [tilespmem:s3+$0x250]  }
0x8f: {  	v14 =	vld [tilespmem:s8+$0x29E0];
	[tilespmem:s3+$0x1F0] =	vst v13;
	v6 =	vmul.f32 v6, v11  }
0x90: {  	v13 =	vld [tilespmem:s8+$0x29F0];
	[tilespmem:s3+$0x200] =	vst v7;
	v5 =	vmul.f32 v5, v10  }
0x91: {  	v7 =	vld [tilespmem:s8+$0x2A00];
	[tilespmem:s3+$0x210] =	vst v6;
	v4 =	vmul.f32 v4, v8  }
0x92: {  	v6 =	vld [tilespmem:s8+$0x2A10];
	[tilespmem:s3+$0x220] =	vst v5;
	v3 =	vmul.f32 v3, v9  }
0x93: {  	v5 =	vld [tilespmem:s8+$0x2A20];
	[tilespmem:s3+$0x230] =	vst v4;
	v2 =	vmul.f32 v2, v12  }
0x94: {  	v4 =	vld [tilespmem:s8+$0x2A30];
	[tilespmem:s3+$0x240] =	vst v3  }
0x95: {  	v3 =	vld [tilespmem:s8+$0x2A40];
	[tilespmem:s3+$0x250] =	vst v2;
	s3 =	smov.u32 s8  }
0x96: {  	v2 =	vld [tilespmem:s3+$0x2A50]  }
0x97: {  	v8 =	vld [tilespmem:s3+$0x1E0]  }
0x98: {  	v9 =	vld [tilespmem:s3+$0x1F0]  }
.Ltmp5:
0x99: {  	v12 =	vld [tilespmem:s3+$0x200];
	(pc) =	sbr.rel @p2 .LBB2_10-.Ltmp5, $4  }
0x9a: {  	v11 =	vld [tilespmem:s3+$0x210]  }
0x9b: {  	v10 =	vld [tilespmem:s3+$0x220]  }
0x9c: {  	v14 =	vmul.f32 v14, v8;
	v8 =	vld [tilespmem:s3+$0x230]  }
0x9d: {  	s6 =	sadd.s32 $0x200, s6;
	v13 =	vmul.f32 v13, v9;
	v9 =	vld [tilespmem:s3+$0x240]  }
0x9e: {  	[tilespmem:s3+$0x1E0] =	vst v14;
	v7 =	vmul.f32 v7, v12;
	v12 =	vld [tilespmem:s3+$0x250]  }
0x9f: {  	[tilespmem:s3+$0x1F0] =	vst v13;
	v6 =	vmul.f32 v6, v11  }
0xa0: {  	[tilespmem:s3+$0x200] =	vst v7;
	v5 =	vmul.f32 v5, v10  }
0xa1: {  	[tilespmem:s3+$0x210] =	vst v6;
	v4 =	vmul.f32 v4, v8  }
0xa2: {  	[tilespmem:s3+$0x220] =	vst v5;
	v3 =	vmul.f32 v3, v9  }
0xa3: {  	[tilespmem:s3+$0x230] =	vst v4;
	v2 =	vmul.f32 v2, v12  }
0xa4: {  	[tilespmem:s3+$0x240] =	vst v3  }
0xa5: {  	s21 =	sadd.s32 $0xA0, s21;
	[tilespmem:s3+$0x250] =	vst v2;
	s3 =	simm.s32 @!p1 $0x7  }
0xa6: {  	[spmem:s2] =	stream.indirect.scatter.add.f32 [tilespmem:s31], [sflag:$0x7], $0x80, s21, s30, $0xb8;
	[tilespmem:$0x1B578] =	vst v63  }
0xa7: {  	_ =	swait.ge @!p1 [sflag:s3], $0x1400  }
0xa8: {  	s6 =	sand.u32 @!p1 $0x1, s23;
	[sflag:s3] =	ssyncset.done @!p1 $0x0  }
0xa9: {  	[sflag:s3] =	ssyncadd.s32 @!p1 $0xFFFFEC00;
	s3 =	sadd.s32 @!p1 $0x1, s6  }
0xaa: {  	_ =	swait.ge @!p1 [sflag:s3], $0x50  }
0xab: {  	[sflag:s3] =	ssyncset.done @!p1 $0x0  }
0xac: {  	[sflag:s3] =	ssyncadd.s32 @!p1 $0xFFFFFFB0  }
0xad: {  	_ =	swait.ge @!p1 [sflag:s3], $0x50  }
0xae: {  	[sflag:s3] =	ssyncset.done @!p1 $0x0  }
0xaf: {  	s6 =	sxor.u32 @!p1 $0x1, s22;
	[sflag:s3] =	ssyncadd.s32 @!p1 $0xFFFFFFB0  }
0xb0: {  	s6 =	smul.u32 @!p1 $0x140, s6;
	_ =	swait.ge @!p1 [sflag:s3], $0x50  }
0xb1: {  	s8 =	simm.s32 @!p1 $0x1E0;
	s9 =	smul.u32 @!p1 $0x50, s23;
	[sflag:s3] =	ssyncset.done @!p1 $0x0  }
0xb2: {  	[sflag:s3] =	ssyncadd.s32 @!p1 $0xFFFFFFB0;
	s3 =	sshrl.u32 @!p1 s6, $0x2;
	s6 =	simm.s32 @!p1 $0x28  }
0xb3: {  	[tilespmem:s8], [sflag:$0x3] =	stream.indirect.gather @!p1 [hbm4b:s1+s6], $0x80, s3, s6, $0xb8;
	[tilespmem:$0x1B578] =	vst v63  }
0xb4: {  	s3 =	sadd.s32 @!p1 s14, s9  }
0xb5: {  	s3 =	sshll.u32 @!p1 s3, $0x4  }
0xb6: {  	s6 =	simm.s32 @!p1 $0x0;
	s8 =	simm.s32 @!p1 $0x29E0;
	s3 =	sadd.s32 @!p1 s5, s3  }
0xb7: {  	[tilespmem:s8], [sflag:$0x5] =	stream.linear.gather @!p1 [hbm4b:s3+s6], $0x1400, $0x38;
	[tilespmem:$0x1B578] =	vst v63  }
0xb8: {  	_ =	swait.ge [sflag:s16], $0x1400  }
0xb9: {  	[sflag:s16] =	ssyncset.done $0x0  }
0xba: {  	[sflag:s16] =	ssyncadd.s32 $0xFFFFEC00  }
0xbb: {  	_ =	swait.ge [sflag:s17], $0x1400  }
0xbc: {  	[sflag:s17] =	ssyncset.done $0x0  }
0xbd: {  	s3 =	simm.s32 $0x0;
	[sflag:s17] =	ssyncadd.s32 $0xFFFFEC00  }
0xbe: {  	v9 =	vld [tilespmem:s3+$0x3DE0]  }
0xbf: {  	v13 =	vld [tilespmem:s3+$0x3DF0]  }
0xc0: {  	v7 =	vld [tilespmem:s3+$0x3E00]  }
0xc1: {  	v6 =	vld [tilespmem:s3+$0x3E10]  }
0xc2: {  	v5 =	vld [tilespmem:s3+$0x3E20]  }
0xc3: {  	v4 =	vld [tilespmem:s3+$0x3E30]  }
0xc4: {  	v3 =	vld [tilespmem:s3+$0x3E40]  }
0xc5: {  	v2 =	vld [tilespmem:s3+$0x3E50]  }
0xc6: {  	v14 =	vld [tilespmem:s3+$0x15E0]  }
0xc7: {  	v15 =	vld [tilespmem:s3+$0x15F0]  }
0xc8: {  	v12 =	vld [tilespmem:s3+$0x1600]  }
0xc9: {  	v11 =	vld [tilespmem:s3+$0x1610]  }
0xca: {  	v10 =	vld [tilespmem:s3+$0x1620]  }
0xcb: {  	v8 =	vld [tilespmem:s3+$0x1630];
	v14 =	vmul.f32 v9, v14  }
0xcc: {  	s6 =	simm.s32 $0x200;
	v13 =	vmul.f32 v13, v15;
	v9 =	vld [tilespmem:s3+$0x1640]  }
.LBB2_12:
0xcd: {  	s8 =	sshra.s32 s6, $0x2;
	p1 =	sne.s32 s6, $0x4E00;
	[tilespmem:s3+$0x15E0] =	vst v14;
	v7 =	vmul.f32 v7, v12;
	v12 =	vld [tilespmem:s3+$0x1650]  }
0xce: {  	v14 =	vld [tilespmem:s8+$0x3DE0];
	[tilespmem:s3+$0x15F0] =	vst v13;
	v6 =	vmul.f32 v6, v11  }
0xcf: {  	v13 =	vld [tilespmem:s8+$0x3DF0];
	[tilespmem:s3+$0x1600] =	vst v7;
	v5 =	vmul.f32 v5, v10  }
0xd0: {  	v7 =	vld [tilespmem:s8+$0x3E00];
	[tilespmem:s3+$0x1610] =	vst v6;
	v4 =	vmul.f32 v4, v8  }
0xd1: {  	v6 =	vld [tilespmem:s8+$0x3E10];
	[tilespmem:s3+$0x1620] =	vst v5;
	v3 =	vmul.f32 v3, v9  }
0xd2: {  	v5 =	vld [tilespmem:s8+$0x3E20];
	[tilespmem:s3+$0x1630] =	vst v4;
	v2 =	vmul.f32 v2, v12  }
0xd3: {  	v4 =	vld [tilespmem:s8+$0x3E30];
	[tilespmem:s3+$0x1640] =	vst v3  }
0xd4: {  	v3 =	vld [tilespmem:s8+$0x3E40];
	[tilespmem:s3+$0x1650] =	vst v2;
	s3 =	smov.u32 s8  }
0xd5: {  	v2 =	vld [tilespmem:s3+$0x3E50]  }
0xd6: {  	v8 =	vld [tilespmem:s3+$0x15E0]  }
0xd7: {  	v9 =	vld [tilespmem:s3+$0x15F0]  }
.Ltmp6:
0xd8: {  	v12 =	vld [tilespmem:s3+$0x1600];
	(pc) =	sbr.rel @p1 .LBB2_12-.Ltmp6, $4  }
0xd9: {  	v11 =	vld [tilespmem:s3+$0x1610]  }
0xda: {  	v10 =	vld [tilespmem:s3+$0x1620]  }
0xdb: {  	v14 =	vmul.f32 v14, v8;
	v8 =	vld [tilespmem:s3+$0x1630]  }
0xdc: {  	s6 =	sadd.s32 $0x200, s6;
	v13 =	vmul.f32 v13, v9;
	v9 =	vld [tilespmem:s3+$0x1640]  }
0xdd: {  	[tilespmem:s3+$0x15E0] =	vst v14;
	v7 =	vmul.f32 v7, v12;
	v63 =	vld [tilespmem:s3+$0x1650]  }
0xde: {  	[tilespmem:s3+$0x15F0] =	vst v13;
	v6 =	vmul.f32 v6, v11  }
0xdf: {  	[tilespmem:s3+$0x1600] =	vst v7;
	v5 =	vmul.f32 v5, v10  }
0xe0: {  	p1 =	slt.u32 s23, $0x7D;
	[tilespmem:s3+$0x1610] =	vst v6;
	v4 =	vmul.f32 v4, v8  }
.Ltmp7:
0xe1: {  	[tilespmem:s3+$0x1620] =	vst v5;
	v3 =	vmul.f32 v3, v9;
	(pc) =	sbr.rel @p1 .LBB2_6-.Ltmp7, $4  }
0xe2: {  	[tilespmem:s3+$0x1630] =	vst v4;
	v2 =	vmul.f32 v2, v63  }
0xe3: {  	[tilespmem:s3+$0x1640] =	vst v3  }
0xe4: {  	s22 =	sadd.s32 $0xA0, s11;
	[tilespmem:s3+$0x1650] =	vst v2  }
0xe5: {  	[spmem:s2] =	stream.indirect.scatter.add.f32 [tilespmem:s7], [sflag:$0x8], $0x80, s22, s30, $0xb8;
	[tilespmem:$0x1B578] =	vst v63  }
0xe6: {  	s3 =	simm.s32 $0x7  }
0xe7: {  	_ =	swait.ge [sflag:s3], $0x1400  }
0xe8: {  	[sflag:s3] =	ssyncset.done $0x0  }
0xe9: {  	s21 =	simm.s32 $0x8;
	[sflag:s3] =	ssyncadd.s32 $0xFFFFEC00  }
0xea: {  	_ =	swait.ge [sflag:s21], $0x1400  }
0xeb: {  	[sflag:s21] =	ssyncset.done $0x0  }
0xec: {  	s22 =	simm.s32 $0x9;
	[sflag:s21] =	ssyncadd.s32 $0xFFFFEC00  }
0xed: {  	_ =	swait.ge [sflag:s22], $0x50  }
0xee: {  	[sflag:s22] =	ssyncset.done $0x0  }
0xef: {  	[sflag:s22] =	ssyncadd.s32 $0xFFFFFFB0  }
0xf0: {  	[bflag:$0x0] =	sbarrier.arrive $0xFFFF  }
0xf1: {  	s9 =	rddreg [dreg:$0x10]  }
0xf2: {  	[tilespmem:s24], [sflag:$0xA] =	stream.linear.gather [spmem:s9], $0x2800, $0x38;
	[tilespmem:$0x1B578] =	vst v63  }
0xf3: {  	_ =	swait.ge [sflag:s25], $0x2800  }
0xf4: {  	s6 =	rddreg [dreg:$0x11]  }
0xf5: {  	[sflag:s25] =	ssyncset.done $0x0;
	s23 =	sshrl.u32 s6, $0x3  }
.Ltmp8:
0xf6: {  	[sflag:s25] =	ssyncadd.s32 $0xFFFFD800;
	s3 =	sadd.s32 s10, s23;
	(pc) =	sbr.rel @!p0 .LBB2_16-.Ltmp8, $4  }
0xf7: {  	[hbm4b:s3+s20] =	stream.strided.scatter [tilespmem:s24], [sflag:$0xA], $0x2800, s18, s20, $0x38;
	[tilespmem:$0x1B578] =	vst v63  }
0xf8: {  	_ =	swait.ge [sflag:s25], $0x2800  }
0xf9: {  	s21 =	rddreg [dreg:$0x8]  }
0xfa: {  	s11 =	smov.u32 s9;
	[sflag:s25] =	ssyncset.done $0x0;
	s3 =	sadd.s32 $0xFFFFFFFF, s21  }
.LBB2_15:
0xfb: {  	[sflag:s25] =	ssyncadd.s32 $0xFFFFD800;
	s6 =	sadd.s32 $0x5000, s6;
	s11 =	sadd.s32 $0x2800, s11  }
0xfc: {  	[tilespmem:s24], [sflag:$0xA] =	stream.linear.gather [spmem:s11], $0x2800, $0x38;
	[tilespmem:$0x1B578] =	vst v63  }
0xfd: {  	p0 =	sne.s32 s3, $0x1;
	s3 =	sadd.s32 $0xFFFFFFFF, s3;
	_ =	swait.ge [sflag:s25], $0x2800  }
.Ltmp9:
0xfe: {  	s8 =	sshrl.u32 s6, $0x3;
	[sflag:s25] =	ssyncset.done $0x0;
	(pc) =	sbr.rel @p0 .LBB2_15-.Ltmp9, $4  }
0xff: {  	s8 =	sadd.s32 s10, s8;
	[sflag:s25] =	ssyncadd.s32 $0xFFFFD800  }
0x100: {  	[hbm4b:s8+s20] =	stream.strided.scatter [tilespmem:s24], [sflag:$0xA], $0x2800, s18, s20, $0x38;
	[tilespmem:$0x1B578] =	vst v63  }
0x101: {  	_ =	swait.ge [sflag:s25], $0x2800  }
0x102: {  	[sflag:s25] =	ssyncset.done $0x0  }
.LBB2_16:
0x103: {  	s6 =	rddreg [dreg:$0x12]  }
0x104: {  	s3 =	rddreg [dreg:$0xe];
	s6 =	sadd.s32 $0x1, s6  }
0x105: {  	p0 =	sne.s32 s6, s3  }
.Ltmp10:
0x106: {  	_ = 	snop;
	(pc) =	sbr.rel @p0 .LBB2_1-.Ltmp10, $2  }
0x107: {  	_ =	sdelay $0x2  }
0x108: {  	[sflag:s25] =	ssyncadd.s32 $0xFFFFD800  }
0x109: {  	_ =	sfence.sel $0x180000  }
0x10a: {  	[bflag:$0x0] =	sbarrier.arrive $0xFFFF  }
0x10b: {  	_ =	strace $0x90000047  }
0x10c: {  	s0 =	stileid.u32;
	[bflag:$0x2] =	sbarrier.arrive $0xFFFF  }
0x10d: {  	p0 =	sne.s32 s0, $0x0;
	s0 =	rddreg [dreg:$0x4]  }
0x10e: {  	s0 =	sadd.s32 @!p0 $0x100000, s0  }
0x10f: {  	[sflag:s0] =	ssyncadd.tile.s32 @!p0 $0x1;
	_ =	shalt  }
.Lfunc_end2:
_tile_overlayer_lowered:
.L_overlay_start_2:
0x110: {  	(tag) =	ssettag $0x2  }
0x111: {  	s0 =	rddreg [dreg:$0x0];
	s2 =	stileid.u32  }
0x112: {  	s1 =	rddreg [dreg:$0x1];
	p0 =	sne.s32 s2, $0x0  }
0x113: {  	s3 =	rddreg [dreg:$0x2];
	[bflag:$0x3] =	sbarrier.arrive $0xFFFF;
	s2 =	simm.s32 @!p0 $0x1C0A  }
0x114: {  	[timem:s3], [sflag:s2] =	dma.local @!p0 [hbm:s0], s1  }
0x115: {  	s0 =	simm.s32 @!p0 $0xA  }
0x116: {  	_ =	swait.ge @!p0 [sflag:s0], s1  }
0x117: {  	s1 =	ssub.s32 @!p0 $0x0, s1;
	[sflag:s0] =	ssyncset.done @!p0 $0x0  }
0x118: {  	[sflag:s0] =	ssyncadd.s32 @!p0 s1  }
0x119: {  	[bflag:$0x3] =	sbarrier.arrive $0xFFFF  }
0x11a: {  	_ =	shalt  }

</sc_bundles>
